<compile_context>
chip_gen: v7x
topology: tpu7x:2x2x1
jax: 0.10.2.dev20260603
libtpu: 0.0.44.dev20260713+nightly
codegen_flags: <defaults>
</compile_context>

<pallas_src>
import numpy as np

import jax
import jax.numpy as jnp
from jax import lax
from jax.experimental import pallas as pl
from jax.experimental.pallas import tpu as pltpu
from jax.experimental.pallas import tpu_sc as plsc

F = 26
B = 4096
EPS = 1e-5
NC, NS, L = 2, 16, 16
CH = 1024
NCH = B // CH
IDXROW = 128
GPC = CH // IDXROW

D8, D16, D32 = 8, 16, 32
COL16 = F * D8
COL32 = F * (D8 + D16)
OUT_D = F * (D8 + D16 + D32)
PAD_D = 1536
GROWS = B * PAD_D // 128
NBB = 16
BB = B // NBB
GBB = BB * PAD_D // 128
NF = 96

_M = np.zeros((PAD_D, NF), np.float32)
_DEN = np.ones((1, NF), np.float32)
_MASK = np.zeros((1, PAD_D), np.float32)
_MASK[0, :OUT_D] = 1.0
for _f in range(F):
    _M[_f * D8 : (_f + 1) * D8, _f] = 1.0
    _DEN[0, _f] = B * D8
    _M[COL16 + _f * D16 : COL16 + (_f + 1) * D16, 32 + _f] = 1.0
    _DEN[0, 32 + _f] = B * D16
    _M[COL32 + _f * D32 : COL32 + (_f + 1) * D32, 64 + _f] = 1.0
    _DEN[0, 64 + _f] = B * D32


def _sc_body(ids3, t8, t16, t32, graw, idxv, b8, b16, b32, sem):
    wid = lax.axis_index("s") * NC + lax.axis_index("c")

    def unit(table, f, d, buf, col_base):
        pltpu.sync_copy(ids3.at[f], idxv)
        col = col_base + f * d

        def chunk(c, carry):
            hs = [
                pltpu.async_copy(
                    table.at[idxv.at[c * GPC + j]],
                    buf.at[pl.ds(j * IDXROW, IDXROW)],
                    sem,
                )
                for j in range(GPC)
            ]
            for h in hs:
                h.wait()
            pltpu.sync_copy(buf, graw.at[pl.ds(c * CH, CH), pl.ds(col, d)])
            return carry

        lax.fori_loop(0, NCH, chunk, 0)

    @pl.when(wid < F)
    def _():
        unit(t32, wid, D32, b32, COL32)
        unit(t16, wid, D16, b16, COL16)

    @pl.when(wid >= F)
    def _():
        def d8_slot(k, carry):
            f = (wid - F) + (NC * NS - F) * k

            @pl.when(f < F)
            def _():
                unit(t8, f, D8, b8, 0)

            return carry

        lax.fori_loop(0, 5, d8_slot, 0)


def _make_sc_gather():
    return pl.kernel(
        _sc_body,
        out_type=jax.ShapeDtypeStruct((B, PAD_D), jnp.float32),
        mesh=plsc.VectorSubcoreMesh(
            core_axis_name="c", subcore_axis_name="s", num_cores=NC, num_subcores=NS
        ),
        scratch_types=[
            pltpu.VMEM((B // IDXROW, IDXROW), jnp.int32),
            pltpu.VMEM((CH, D8), jnp.float32),
            pltpu.VMEM((CH, D16), jnp.float32),
            pltpu.VMEM((CH, D32), jnp.float32),
            pltpu.SemaphoreType.DMA,
        ],
        compiler_params=pltpu.CompilerParams(use_tc_tiling_on_sc=False),
    )


VB = 8192
VOCAB = 100000
NVB = -(-VOCAB // VB)


def _lin_body(x8, x16, x32, y8, y16, y32):
    for x, y, d in ((x8, y8, D8), (x16, y16, D16), (x32, y32, D32)):
        g = 128 // d
        xt = x[...].T
        xg = jnp.reshape(xt, (VB // g, g, d))
        for k in range(g):
            y[:, k * d : (k + 1) * d] = xg[:, k, :]


def _tc_linearize(e0t, e1t, e2t):
    return pl.pallas_call(
        _lin_body,
        grid=(NVB,),
        in_specs=[
            pl.BlockSpec((D8, VB), lambda i: (0, i)),
            pl.BlockSpec((D16, VB), lambda i: (0, i)),
            pl.BlockSpec((D32, VB), lambda i: (0, i)),
        ],
        out_specs=[
            pl.BlockSpec((VB * D8 // 128, 128), lambda i: (i, 0)),
            pl.BlockSpec((VB * D16 // 128, 128), lambda i: (i, 0)),
            pl.BlockSpec((VB * D32 // 128, 128), lambda i: (i, 0)),
        ],
        out_shape=[
            jax.ShapeDtypeStruct((VOCAB * D8 // 128, 128), jnp.float32),
            jax.ShapeDtypeStruct((VOCAB * D16 // 128, 128), jnp.float32),
            jax.ShapeDtypeStruct((VOCAB * D32 // 128, 128), jnp.float32),
        ],
    )(e0t, e1t, e2t)


def _stats_body(mask_ref, g_ref, out):
    @pl.when(pl.program_id(0) == 0)
    def _():
        out[...] = jnp.zeros_like(out)

    x = jnp.reshape(g_ref[...], (BB, PAD_D))
    x = jnp.where(mask_ref[...] != 0.0, x, 0.0)
    out[0:1, :] += jnp.sum(x, axis=0, keepdims=True)
    out[1:2, :] += jnp.sum(x * x, axis=0, keepdims=True)


def _tc_stats(mask, graw1):
    return pl.pallas_call(
        _stats_body,
        grid=(NBB,),
        in_specs=[
            pl.BlockSpec((1, PAD_D), lambda i: (0, 0)),
            pl.BlockSpec((GBB, 128), lambda i: (i, 0)),
        ],
        out_specs=pl.BlockSpec((8, PAD_D), lambda i: (0, 0)),
        out_shape=jax.ShapeDtypeStruct((8, PAD_D), jnp.float32),
    )(mask, graw1)


def _affine_body(stats_ref, m_ref, c_ref, den_ref, g_ref, out, sb_ref):
    @pl.when(pl.program_id(0) == 0)
    def _():
        m = m_ref[...]
        hi = lax.Precision.HIGHEST
        s = jnp.dot(stats_ref[0:1, :], m, precision=hi)
        q = jnp.dot(stats_ref[1:2, :], m, precision=hi)
        den = den_ref[...]
        mean = s / den
        var = q / den - mean * mean
        scale = c_ref[...] * lax.rsqrt(var + EPS)
        bias = -mean * scale
        sb_ref[0:1, :] = lax.dot_general(
            scale, m, (((1,), (1,)), ((), ())), precision=hi
        )
        sb_ref[1:2, :] = lax.dot_general(
            bias, m, (((1,), (1,)), ((), ())), precision=hi
        )

    x = jnp.reshape(g_ref[...], (BB, PAD_D))
    xn = x * sb_ref[0:1, :] + sb_ref[1:2, :]
    out[...] = xn[:, 0:OUT_D]


def _tc_affine(stats, c_all, graw1):
    return pl.pallas_call(
        _affine_body,
        grid=(NBB,),
        in_specs=[
            pl.BlockSpec((8, PAD_D), lambda i: (0, 0)),
            pl.BlockSpec((PAD_D, NF), lambda i: (0, 0)),
            pl.BlockSpec((1, NF), lambda i: (0, 0)),
            pl.BlockSpec((1, NF), lambda i: (0, 0)),
            pl.BlockSpec((GBB, 128), lambda i: (i, 0)),
        ],
        out_specs=pl.BlockSpec((BB, OUT_D), lambda i: (i, 0)),
        out_shape=jax.ShapeDtypeStruct((B, OUT_D), jnp.float32),
        scratch_shapes=[pltpu.VMEM((8, PAD_D), jnp.float32)],
    )(stats, jnp.asarray(_M), c_all, jnp.asarray(_DEN), graw1)


@jax.jit
def kernel(input_ids, emb_0, emb_1, emb_2, fw_0, fw_1, fw_2, region_weights_raw):
    rw = jax.nn.softmax(region_weights_raw, axis=0)
    c_all = jnp.zeros((1, NF), jnp.float32)
    c_all = c_all.at[0, 0:F].set(fw_0[:, 0] * rw[0, 0])
    c_all = c_all.at[0, 32 : 32 + F].set(fw_1[:, 0] * rw[1, 0])
    c_all = c_all.at[0, 64 : 64 + F].set(fw_2[:, 0] * rw[2, 0])
    ids3 = input_ids.astype(jnp.int32).T.reshape(F, B // IDXROW, IDXROW)
    lin8, lin16, lin32 = _tc_linearize(emb_0.T, emb_1.T, emb_2.T)
    t8 = lin8.reshape(VOCAB, D8)
    t16 = lin16.reshape(VOCAB, D16)
    t32 = lin32.reshape(VOCAB, D32)
    graw = _make_sc_gather()(ids3, t8, t16, t32)
    graw1 = graw.reshape(GROWS, 128)
    stats = _tc_stats(jnp.asarray(_MASK), graw1)
    return _tc_affine(stats, c_all, graw1)

# --- scband reference (transcript-rebuilt; emitter-appended) ---
"""Pipeline reference for scband-sub-region-embedding-70282844831821 (READ-ONLY COPY).

The authoritative reference and input builder live on the scoring server;
editing this copy changes nothing except your own understanding.
"""

import jax, jax.numpy as jnp
import numpy as np

FIELD_NUM = 26
VOCAB = 100000
REGIONS_DIMS = [8, 16, 32]
TEMPERATURE = 1.0
BATCH = 4096
EPS = 1e-5


def setup_inputs(seed: int = 0) -> dict:
    key = jax.random.key(seed)
    ks = jax.random.split(key, 8)
    inp = {}
    inp["input_ids"] = jax.random.randint(ks[0], (BATCH, FIELD_NUM), 0, VOCAB, dtype=jnp.int64 if jax.config.jax_enable_x64 else jnp.int32)
    # region embedding tables, uniform(-0.05, 0.05) as in torch init
    inp["emb_0"] = jax.random.uniform(ks[1], (VOCAB, REGIONS_DIMS[0]), minval=-0.05, maxval=0.05, dtype=jnp.float32)
    inp["emb_1"] = jax.random.uniform(ks[2], (VOCAB, REGIONS_DIMS[1]), minval=-0.05, maxval=0.05, dtype=jnp.float32)
    inp["emb_2"] = jax.random.uniform(ks[3], (VOCAB, REGIONS_DIMS[2]), minval=-0.05, maxval=0.05, dtype=jnp.float32)
    # per-region field weights [field_num, 1] (xavier-ish small init)
    inp["fw_0"] = jax.random.normal(ks[4], (FIELD_NUM, 1), dtype=jnp.float32) * 0.2
    inp["fw_1"] = jax.random.normal(ks[5], (FIELD_NUM, 1), dtype=jnp.float32) * 0.2
    inp["fw_2"] = jax.random.normal(ks[6], (FIELD_NUM, 1), dtype=jnp.float32) * 0.2
    # raw region weights [n_regions, 1]; softmax applied in forward
    inp["region_weights_raw"] = jax.random.normal(ks[7], (len(REGIONS_DIMS), 1), dtype=jnp.float32) * 0.5
    return inp


def _batch_norm_fields(x):
    # torch BatchNorm1d(field_num, affine=False) on [B, F, d]: normalize per field
    # using batch statistics over (B, d) (training-mode behavior).
    mean = jnp.mean(x, axis=(0, 2), keepdims=True)
    var = jnp.var(x, axis=(0, 2), keepdims=True)
    return (x - mean) / jnp.sqrt(var + EPS)


def reference(input_ids, emb_0, emb_1, emb_2, fw_0, fw_1, fw_2, region_weights_raw):
    region_weights = jax.nn.softmax(region_weights_raw / TEMPERATURE, axis=0)  # [R, 1]
    emb_tables = [emb_0, emb_1, emb_2]
    field_weights = [fw_0, fw_1, fw_2]
    id_flatten_emb_list = []
    for i, dim in enumerate(REGIONS_DIMS):
        id_emb = jnp.take(emb_tables[i], input_ids, axis=0)  # [B, F, d_i]
        id_emb = _batch_norm_fields(id_emb)
        id_field_emb = id_emb * field_weights[i][None, :, :]  # [1, F, 1] broadcast
        id_flatten_emb = jnp.reshape(id_field_emb, (-1, dim * FIELD_NUM))
        id_flatten_emb = id_flatten_emb * region_weights[i][None, :]  # scalar region weight
        id_flatten_emb_list.append(id_flatten_emb)
    id_emb_out = jnp.concatenate(id_flatten_emb_list, axis=1)  # [B, F * sum(dims)]
    return id_emb_out

if __name__ == "__main__":
    import jax
    _d = setup_inputs()
    print(jax.jit(kernel)(*tuple(_d.values())))

</pallas_src>

<mosaic_0001>
#map = affine_map<(d0, d1) -> (0, 0, 0)>
#map1 = affine_map<(d0, d1) -> (0, 0)>
module attributes {stable_mosaic.version = 14 : i64} {
  func.func @_sc_body(%arg0: i32, %arg1: i32, %arg2: memref<26x32x128xi32, #tpu.memory_space<hbm>>, %arg3: memref<100000x8xf32, #tpu.memory_space<hbm>>, %arg4: memref<100000x16xf32, #tpu.memory_space<hbm>>, %arg5: memref<100000x32xf32, #tpu.memory_space<hbm>>, %arg6: memref<4096x1536xf32, #tpu.memory_space<hbm>>, %arg7: memref<32x128xi32, #tpu.memory_space<vmem>>, %arg8: memref<1024x8xf32, #tpu.memory_space<vmem>>, %arg9: memref<1024x16xf32, #tpu.memory_space<vmem>>, %arg10: memref<1024x32xf32, #tpu.memory_space<vmem>>, %arg11: memref<!tpu.dma_semaphore, #tpu.memory_space<semaphore_mem>>) attributes {dimension_semantics = [#tpu.dimension_semantics<core_parallel>, #tpu.dimension_semantics<subcore_parallel>], iteration_bounds = array<i64: 2, 16>, scalar_prefetch = 0 : i64, scratch_operands = 5 : i64, tpu.core_type = #tpu.core_type<sc_vector_subcore>, window_params = [{transform_indices = #map}, {transform_indices = #map1}, {transform_indices = #map1}, {transform_indices = #map1}, {transform_indices = #map1}]} {
    %mul3A = arith.constant 2 : i32
    %mul3A_0 = arith.muli %arg1, %mul3A : i32
    %add3A = arith.addi %mul3A_0, %arg0 : i32
    %lt3A = arith.constant 26 : i32
    %lt3A_1 = arith.cmpi slt, %add3A, %lt3A : i32
    %convert_element_type3A = arith.extui %lt3A_1 : i1 to i32
    %cond3A = arith.constant 0 : i32
    %cond3A_2 = arith.cmpi ne, %convert_element_type3A, %cond3A : i32
    scf.if %cond3A_2 {
      "tpu.region"() ({
        %run_scoped3A = tpu.sem_alloc : memref<!tpu.dma_semaphore, #tpu.memory_space<semaphore_mem>>
        %dma_start3A = arith.constant 0 : i32
        %dma_start3A_26 = arith.constant 0 : i32
        %dma_start3A_27 = tpu.memref_slice %arg2[%add3A, %dma_start3A, %dma_start3A_26] : memref<26x32x128xi32, #tpu.memory_space<hbm>> -> memref<1x32x128xi32, #tpu.memory_space<hbm>>
        %dma_start3A_28 = tpu.memref_squeeze %dma_start3A_27 : memref<1x32x128xi32, #tpu.memory_space<hbm>> -> memref<32x128xi32, #tpu.memory_space<hbm>>
        %dma_start3A_29 = arith.constant 0 : i32
        %dma_start3A_30 = arith.constant 0 : i32
        %dma_start3A_31 = tpu.memref_slice %arg2[%add3A, %dma_start3A_29, %dma_start3A_30] : memref<26x32x128xi32, #tpu.memory_space<hbm>> -> memref<1x32x128xi32, #tpu.memory_space<hbm>>
        %dma_start3A_32 = tpu.memref_squeeze %dma_start3A_31 : memref<1x32x128xi32, #tpu.memory_space<hbm>> -> memref<32x128xi32, #tpu.memory_space<hbm>>
        tpu.enqueue_dma source(%dma_start3A_32 : memref<32x128xi32, #tpu.memory_space<hbm>>) target(%arg7 : memref<32x128xi32, #tpu.memory_space<vmem>>) target_semaphore(%run_scoped3A : memref<!tpu.dma_semaphore, #tpu.memory_space<semaphore_mem>>)
        %dma_wait3A = arith.constant 0 : i32
        %dma_wait3A_33 = arith.constant 0 : i32
        %dma_wait3A_34 = tpu.memref_slice %arg2[%add3A, %dma_wait3A, %dma_wait3A_33] : memref<26x32x128xi32, #tpu.memory_space<hbm>> -> memref<1x32x128xi32, #tpu.memory_space<hbm>>
        %dma_wait3A_35 = tpu.memref_squeeze %dma_wait3A_34 : memref<1x32x128xi32, #tpu.memory_space<hbm>> -> memref<32x128xi32, #tpu.memory_space<hbm>>
        %dma_wait3A_36 = arith.constant 0 : i32
        %dma_wait3A_37 = arith.constant 0 : i32
        %dma_wait3A_38 = tpu.memref_slice %arg2[%add3A, %dma_wait3A_36, %dma_wait3A_37] : memref<26x32x128xi32, #tpu.memory_space<hbm>> -> memref<1x32x128xi32, #tpu.memory_space<hbm>>
        %dma_wait3A_39 = tpu.memref_squeeze %dma_wait3A_38 : memref<1x32x128xi32, #tpu.memory_space<hbm>> -> memref<32x128xi32, #tpu.memory_space<hbm>>
        tpu.wait_dma2 semaphore(%run_scoped3A : memref<!tpu.dma_semaphore, #tpu.memory_space<semaphore_mem>>) src(%dma_wait3A_39 : memref<32x128xi32, #tpu.memory_space<hbm>>) dst(%arg7 : memref<32x128xi32, #tpu.memory_space<vmem>>)
        tpu.yield
      }) : () -> ()
      %mul3A_7 = arith.constant 32 : i32
      %mul3A_8 = arith.muli %add3A, %mul3A_7 : i32
      %add3A_9 = arith.constant 624 : i32
      %add3A_10 = arith.addi %add3A_9, %mul3A_8 : i32
      %scan3A = arith.constant 0 : i32
      %scan3A_11 = arith.constant 0 : i32
      %scan3A_12 = arith.constant 4 : i32
      %scan3A_13 = arith.addi %scan3A_11, %scan3A_12 : i32
      %scan3A_14 = arith.constant 1 : i32
      scf.for %scan3A_26 = %scan3A_11 to %scan3A_13 step %scan3A_14  : i32 {
        %mul3A_27 = arith.constant 8 : i32
        %mul3A_28 = arith.muli %scan3A_26, %mul3A_27 : i32
        %add3A_29 = arith.constant 0 : i32
        %add3A_30 = arith.addi %mul3A_28, %add3A_29 : i32
        %dma_start3A = arith.constant 0 : i32
        %dma_start3A_31 = arith.constant 0 : i32
        %dma_start3A_32 = tpu.memref_slice %arg10[%dma_start3A, %dma_start3A_31] : memref<1024x32xf32, #tpu.memory_space<vmem>> -> memref<128x32xf32, #tpu.memory_space<vmem>>
        %dma_start3A_33 = arith.constant 0 : i32
        %dma_start3A_34 = tpu.memref_slice %arg7[%add3A_30, %dma_start3A_33] : memref<32x128xi32, #tpu.memory_space<vmem>> -> memref<1x128xi32, #tpu.memory_space<vmem>>
        %dma_start3A_35 = tpu.memref_squeeze %dma_start3A_34 : memref<1x128xi32, #tpu.memory_space<vmem>> -> memref<128xi32, #tpu.memory_space<vmem>>
        %dma_start3A_36 = arith.constant 0 : i32
        %dma_start3A_37 = arith.constant 0 : i32
        %dma_start3A_38 = tpu.memref_slice %arg5[%dma_start3A_36, %dma_start3A_37] : memref<100000x32xf32, #tpu.memory_space<hbm>> -> memref<100000x32xf32, #tpu.memory_space<hbm>>
        tpu.enqueue_indirect_dma source(%dma_start3A_38 : memref<100000x32xf32, #tpu.memory_space<hbm>>) target(%dma_start3A_32 : memref<128x32xf32, #tpu.memory_space<vmem>>) offsets(%dma_start3A_35 : memref<128xi32, #tpu.memory_space<vmem>>) semaphore(%arg11 : memref<!tpu.dma_semaphore, #tpu.memory_space<semaphore_mem>>)
        %mul3A_39 = arith.constant 8 : i32
        %mul3A_40 = arith.muli %scan3A_26, %mul3A_39 : i32
        %add3A_41 = arith.constant 1 : i32
        %add3A_42 = arith.addi %mul3A_40, %add3A_41 : i32
        %dma_start3A_43 = arith.constant 128 : i32
        %dma_start3A_44 = arith.constant 0 : i32
        %dma_start3A_45 = tpu.memref_slice %arg10[%dma_start3A_43, %dma_start3A_44] : memref<1024x32xf32, #tpu.memory_space<vmem>> -> memref<128x32xf32, #tpu.memory_space<vmem>>
        %dma_start3A_46 = arith.constant 0 : i32
        %dma_start3A_47 = tpu.memref_slice %arg7[%add3A_42, %dma_start3A_46] : memref<32x128xi32, #tpu.memory_space<vmem>> -> memref<1x128xi32, #tpu.memory_space<vmem>>
        %dma_start3A_48 = tpu.memref_squeeze %dma_start3A_47 : memref<1x128xi32, #tpu.memory_space<vmem>> -> memref<128xi32, #tpu.memory_space<vmem>>
        %dma_start3A_49 = arith.constant 0 : i32
        %dma_start3A_50 = arith.constant 0 : i32
        %dma_start3A_51 = tpu.memref_slice %arg5[%dma_start3A_49, %dma_start3A_50] : memref<100000x32xf32, #tpu.memory_space<hbm>> -> memref<100000x32xf32, #tpu.memory_space<hbm>>
        tpu.enqueue_indirect_dma source(%dma_start3A_51 : memref<100000x32xf32, #tpu.memory_space<hbm>>) target(%dma_start3A_45 : memref<128x32xf32, #tpu.memory_space<vmem>>) offsets(%dma_start3A_48 : memref<128xi32, #tpu.memory_space<vmem>>) semaphore(%arg11 : memref<!tpu.dma_semaphore, #tpu.memory_space<semaphore_mem>>)
        %mul3A_52 = arith.constant 8 : i32
        %mul3A_53 = arith.muli %scan3A_26, %mul3A_52 : i32
        %add3A_54 = arith.constant 2 : i32
        %add3A_55 = arith.addi %mul3A_53, %add3A_54 : i32
        %dma_start3A_56 = arith.constant 256 : i32
        %dma_start3A_57 = arith.constant 0 : i32
        %dma_start3A_58 = tpu.memref_slice %arg10[%dma_start3A_56, %dma_start3A_57] : memref<1024x32xf32, #tpu.memory_space<vmem>> -> memref<128x32xf32, #tpu.memory_space<vmem>>
        %dma_start3A_59 = arith.constant 0 : i32
        %dma_start3A_60 = tpu.memref_slice %arg7[%add3A_55, %dma_start3A_59] : memref<32x128xi32, #tpu.memory_space<vmem>> -> memref<1x128xi32, #tpu.memory_space<vmem>>
        %dma_start3A_61 = tpu.memref_squeeze %dma_start3A_60 : memref<1x128xi32, #tpu.memory_space<vmem>> -> memref<128xi32, #tpu.memory_space<vmem>>
        %dma_start3A_62 = arith.constant 0 : i32
        %dma_start3A_63 = arith.constant 0 : i32
        %dma_start3A_64 = tpu.memref_slice %arg5[%dma_start3A_62, %dma_start3A_63] : memref<100000x32xf32, #tpu.memory_space<hbm>> -> memref<100000x32xf32, #tpu.memory_space<hbm>>
        tpu.enqueue_indirect_dma source(%dma_start3A_64 : memref<100000x32xf32, #tpu.memory_space<hbm>>) target(%dma_start3A_58 : memref<128x32xf32, #tpu.memory_space<vmem>>) offsets(%dma_start3A_61 : memref<128xi32, #tpu.memory_space<vmem>>) semaphore(%arg11 : memref<!tpu.dma_semaphore, #tpu.memory_space<semaphore_mem>>)
        %mul3A_65 = arith.constant 8 : i32
        %mul3A_66 = arith.muli %scan3A_26, %mul3A_65 : i32
        %add3A_67 = arith.constant 3 : i32
        %add3A_68 = arith.addi %mul3A_66, %add3A_67 : i32
        %dma_start3A_69 = arith.constant 384 : i32
        %dma_start3A_70 = arith.constant 0 : i32
        %dma_start3A_71 = tpu.memref_slice %arg10[%dma_start3A_69, %dma_start3A_70] : memref<1024x32xf32, #tpu.memory_space<vmem>> -> memref<128x32xf32, #tpu.memory_space<vmem>>
        %dma_start3A_72 = arith.constant 0 : i32
        %dma_start3A_73 = tpu.memref_slice %arg7[%add3A_68, %dma_start3A_72] : memref<32x128xi32, #tpu.memory_space<vmem>> -> memref<1x128xi32, #tpu.memory_space<vmem>>
        %dma_start3A_74 = tpu.memref_squeeze %dma_start3A_73 : memref<1x128xi32, #tpu.memory_space<vmem>> -> memref<128xi32, #tpu.memory_space<vmem>>
        %dma_start3A_75 = arith.constant 0 : i32
        %dma_start3A_76 = arith.constant 0 : i32
        %dma_start3A_77 = tpu.memref_slice %arg5[%dma_start3A_75, %dma_start3A_76] : memref<100000x32xf32, #tpu.memory_space<hbm>> -> memref<100000x32xf32, #tpu.memory_space<hbm>>
        tpu.enqueue_indirect_dma source(%dma_start3A_77 : memref<100000x32xf32, #tpu.memory_space<hbm>>) target(%dma_start3A_71 : memref<128x32xf32, #tpu.memory_space<vmem>>) offsets(%dma_start3A_74 : memref<128xi32, #tpu.memory_space<vmem>>) semaphore(%arg11 : memref<!tpu.dma_semaphore, #tpu.memory_space<semaphore_mem>>)
        %mul3A_78 = arith.constant 8 : i32
        %mul3A_79 = arith.muli %scan3A_26, %mul3A_78 : i32
        %add3A_80 = arith.constant 4 : i32
        %add3A_81 = arith.addi %mul3A_79, %add3A_80 : i32
        %dma_start3A_82 = arith.constant 512 : i32
        %dma_start3A_83 = arith.constant 0 : i32
        %dma_start3A_84 = tpu.memref_slice %arg10[%dma_start3A_82, %dma_start3A_83] : memref<1024x32xf32, #tpu.memory_space<vmem>> -> memref<128x32xf32, #tpu.memory_space<vmem>>
        %dma_start3A_85 = arith.constant 0 : i32
        %dma_start3A_86 = tpu.memref_slice %arg7[%add3A_81, %dma_start3A_85] : memref<32x128xi32, #tpu.memory_space<vmem>> -> memref<1x128xi32, #tpu.memory_space<vmem>>
        %dma_start3A_87 = tpu.memref_squeeze %dma_start3A_86 : memref<1x128xi32, #tpu.memory_space<vmem>> -> memref<128xi32, #tpu.memory_space<vmem>>
        %dma_start3A_88 = arith.constant 0 : i32
        %dma_start3A_89 = arith.constant 0 : i32
        %dma_start3A_90 = tpu.memref_slice %arg5[%dma_start3A_88, %dma_start3A_89] : memref<100000x32xf32, #tpu.memory_space<hbm>> -> memref<100000x32xf32, #tpu.memory_space<hbm>>
        tpu.enqueue_indirect_dma source(%dma_start3A_90 : memref<100000x32xf32, #tpu.memory_space<hbm>>) target(%dma_start3A_84 : memref<128x32xf32, #tpu.memory_space<vmem>>) offsets(%dma_start3A_87 : memref<128xi32, #tpu.memory_space<vmem>>) semaphore(%arg11 : memref<!tpu.dma_semaphore, #tpu.memory_space<semaphore_mem>>)
        %mul3A_91 = arith.constant 8 : i32
        %mul3A_92 = arith.muli %scan3A_26, %mul3A_91 : i32
        %add3A_93 = arith.constant 5 : i32
        %add3A_94 = arith.addi %mul3A_92, %add3A_93 : i32
        %dma_start3A_95 = arith.constant 640 : i32
        %dma_start3A_96 = arith.constant 0 : i32
        %dma_start3A_97 = tpu.memref_slice %arg10[%dma_start3A_95, %dma_start3A_96] : memref<1024x32xf32, #tpu.memory_space<vmem>> -> memref<128x32xf32, #tpu.memory_space<vmem>>
        %dma_start3A_98 = arith.constant 0 : i32
        %dma_start3A_99 = tpu.memref_slice %arg7[%add3A_94, %dma_start3A_98] : memref<32x128xi32, #tpu.memory_space<vmem>> -> memref<1x128xi32, #tpu.memory_space<vmem>>
        %dma_start3A_100 = tpu.memref_squeeze %dma_start3A_99 : memref<1x128xi32, #tpu.memory_space<vmem>> -> memref<128xi32, #tpu.memory_space<vmem>>
        %dma_start3A_101 = arith.constant 0 : i32
        %dma_start3A_102 = arith.constant 0 : i32
        %dma_start3A_103 = tpu.memref_slice %arg5[%dma_start3A_101, %dma_start3A_102] : memref<100000x32xf32, #tpu.memory_space<hbm>> -> memref<100000x32xf32, #tpu.memory_space<hbm>>
        tpu.enqueue_indirect_dma source(%dma_start3A_103 : memref<100000x32xf32, #tpu.memory_space<hbm>>) target(%dma_start3A_97 : memref<128x32xf32, #tpu.memory_space<vmem>>) offsets(%dma_start3A_100 : memref<128xi32, #tpu.memory_space<vmem>>) semaphore(%arg11 : memref<!tpu.dma_semaphore, #tpu.memory_space<semaphore_mem>>)
        %mul3A_104 = arith.constant 8 : i32
        %mul3A_105 = arith.muli %scan3A_26, %mul3A_104 : i32
        %add3A_106 = arith.constant 6 : i32
        %add3A_107 = arith.addi %mul3A_105, %add3A_106 : i32
        %dma_start3A_108 = arith.constant 768 : i32
        %dma_start3A_109 = arith.constant 0 : i32
        %dma_start3A_110 = tpu.memref_slice %arg10[%dma_start3A_108, %dma_start3A_109] : memref<1024x32xf32, #tpu.memory_space<vmem>> -> memref<128x32xf32, #tpu.memory_space<vmem>>
        %dma_start3A_111 = arith.constant 0 : i32
        %dma_start3A_112 = tpu.memref_slice %arg7[%add3A_107, %dma_start3A_111] : memref<32x128xi32, #tpu.memory_space<vmem>> -> memref<1x128xi32, #tpu.memory_space<vmem>>
        %dma_start3A_113 = tpu.memref_squeeze %dma_start3A_112 : memref<1x128xi32, #tpu.memory_space<vmem>> -> memref<128xi32, #tpu.memory_space<vmem>>
        %dma_start3A_114 = arith.constant 0 : i32
        %dma_start3A_115 = arith.constant 0 : i32
        %dma_start3A_116 = tpu.memref_slice %arg5[%dma_start3A_114, %dma_start3A_115] : memref<100000x32xf32, #tpu.memory_space<hbm>> -> memref<100000x32xf32, #tpu.memory_space<hbm>>
        tpu.enqueue_indirect_dma source(%dma_start3A_116 : memref<100000x32xf32, #tpu.memory_space<hbm>>) target(%dma_start3A_110 : memref<128x32xf32, #tpu.memory_space<vmem>>) offsets(%dma_start3A_113 : memref<128xi32, #tpu.memory_space<vmem>>) semaphore(%arg11 : memref<!tpu.dma_semaphore, #tpu.memory_space<semaphore_mem>>)
        %mul3A_117 = arith.constant 8 : i32
        %mul3A_118 = arith.muli %scan3A_26, %mul3A_117 : i32
        %add3A_119 = arith.constant 7 : i32
        %add3A_120 = arith.addi %mul3A_118, %add3A_119 : i32
        %dma_start3A_121 = arith.constant 896 : i32
        %dma_start3A_122 = arith.constant 0 : i32
        %dma_start3A_123 = tpu.memref_slice %arg10[%dma_start3A_121, %dma_start3A_122] : memref<1024x32xf32, #tpu.memory_space<vmem>> -> memref<128x32xf32, #tpu.memory_space<vmem>>
        %dma_start3A_124 = arith.constant 0 : i32
        %dma_start3A_125 = tpu.memref_slice %arg7[%add3A_120, %dma_start3A_124] : memref<32x128xi32, #tpu.memory_space<vmem>> -> memref<1x128xi32, #tpu.memory_space<vmem>>
        %dma_start3A_126 = tpu.memref_squeeze %dma_start3A_125 : memref<1x128xi32, #tpu.memory_space<vmem>> -> memref<128xi32, #tpu.memory_space<vmem>>
        %dma_start3A_127 = arith.constant 0 : i32
        %dma_start3A_128 = arith.constant 0 : i32
        %dma_start3A_129 = tpu.memref_slice %arg5[%dma_start3A_127, %dma_start3A_128] : memref<100000x32xf32, #tpu.memory_space<hbm>> -> memref<100000x32xf32, #tpu.memory_space<hbm>>
        tpu.enqueue_indirect_dma source(%dma_start3A_129 : memref<100000x32xf32, #tpu.memory_space<hbm>>) target(%dma_start3A_123 : memref<128x32xf32, #tpu.memory_space<vmem>>) offsets(%dma_start3A_126 : memref<128xi32, #tpu.memory_space<vmem>>) semaphore(%arg11 : memref<!tpu.dma_semaphore, #tpu.memory_space<semaphore_mem>>)
        %dma_wait3A = arith.constant 0 : i32
        %dma_wait3A_130 = arith.constant 0 : i32
        %dma_wait3A_131 = tpu.memref_slice %arg10[%dma_wait3A, %dma_wait3A_130] : memref<1024x32xf32, #tpu.memory_space<vmem>> -> memref<128x32xf32, #tpu.memory_space<vmem>>
        %dma_wait3A_132 = arith.constant 0 : i32
        %dma_wait3A_133 = tpu.memref_slice %arg7[%add3A_30, %dma_wait3A_132] : memref<32x128xi32, #tpu.memory_space<vmem>> -> memref<1x128xi32, #tpu.memory_space<vmem>>
        %dma_wait3A_134 = tpu.memref_squeeze %dma_wait3A_133 : memref<1x128xi32, #tpu.memory_space<vmem>> -> memref<128xi32, #tpu.memory_space<vmem>>
        %dma_wait3A_135 = arith.constant 0 : i32
        %dma_wait3A_136 = arith.constant 0 : i32
        %dma_wait3A_137 = tpu.memref_slice %arg5[%dma_wait3A_135, %dma_wait3A_136] : memref<100000x32xf32, #tpu.memory_space<hbm>> -> memref<100000x32xf32, #tpu.memory_space<hbm>>
        tpu.wait_indirect_dma semaphore(%arg11 : memref<!tpu.dma_semaphore, #tpu.memory_space<semaphore_mem>>) src(%dma_wait3A_137 : memref<100000x32xf32, #tpu.memory_space<hbm>>) dst(%dma_wait3A_131 : memref<128x32xf32, #tpu.memory_space<vmem>>)
        %dma_wait3A_138 = arith.constant 128 : i32
        %dma_wait3A_139 = arith.constant 0 : i32
        %dma_wait3A_140 = tpu.memref_slice %arg10[%dma_wait3A_138, %dma_wait3A_139] : memref<1024x32xf32, #tpu.memory_space<vmem>> -> memref<128x32xf32, #tpu.memory_space<vmem>>
        %dma_wait3A_141 = arith.constant 0 : i32
        %dma_wait3A_142 = tpu.memref_slice %arg7[%add3A_42, %dma_wait3A_141] : memref<32x128xi32, #tpu.memory_space<vmem>> -> memref<1x128xi32, #tpu.memory_space<vmem>>
        %dma_wait3A_143 = tpu.memref_squeeze %dma_wait3A_142 : memref<1x128xi32, #tpu.memory_space<vmem>> -> memref<128xi32, #tpu.memory_space<vmem>>
        %dma_wait3A_144 = arith.constant 0 : i32
        %dma_wait3A_145 = arith.constant 0 : i32
        %dma_wait3A_146 = tpu.memref_slice %arg5[%dma_wait3A_144, %dma_wait3A_145] : memref<100000x32xf32, #tpu.memory_space<hbm>> -> memref<100000x32xf32, #tpu.memory_space<hbm>>
        tpu.wait_indirect_dma semaphore(%arg11 : memref<!tpu.dma_semaphore, #tpu.memory_space<semaphore_mem>>) src(%dma_wait3A_146 : memref<100000x32xf32, #tpu.memory_space<hbm>>) dst(%dma_wait3A_140 : memref<128x32xf32, #tpu.memory_space<vmem>>)
        %dma_wait3A_147 = arith.constant 256 : i32
        %dma_wait3A_148 = arith.constant 0 : i32
        %dma_wait3A_149 = tpu.memref_slice %arg10[%dma_wait3A_147, %dma_wait3A_148] : memref<1024x32xf32, #tpu.memory_space<vmem>> -> memref<128x32xf32, #tpu.memory_space<vmem>>
        %dma_wait3A_150 = arith.constant 0 : i32
        %dma_wait3A_151 = tpu.memref_slice %arg7[%add3A_55, %dma_wait3A_150] : memref<32x128xi32, #tpu.memory_space<vmem>> -> memref<1x128xi32, #tpu.memory_space<vmem>>
        %dma_wait3A_152 = tpu.memref_squeeze %dma_wait3A_151 : memref<1x128xi32, #tpu.memory_space<vmem>> -> memref<128xi32, #tpu.memory_space<vmem>>
        %dma_wait3A_153 = arith.constant 0 : i32
        %dma_wait3A_154 = arith.constant 0 : i32
        %dma_wait3A_155 = tpu.memref_slice %arg5[%dma_wait3A_153, %dma_wait3A_154] : memref<100000x32xf32, #tpu.memory_space<hbm>> -> memref<100000x32xf32, #tpu.memory_space<hbm>>
        tpu.wait_indirect_dma semaphore(%arg11 : memref<!tpu.dma_semaphore, #tpu.memory_space<semaphore_mem>>) src(%dma_wait3A_155 : memref<100000x32xf32, #tpu.memory_space<hbm>>) dst(%dma_wait3A_149 : memref<128x32xf32, #tpu.memory_space<vmem>>)
        %dma_wait3A_156 = arith.constant 384 : i32
        %dma_wait3A_157 = arith.constant 0 : i32
        %dma_wait3A_158 = tpu.memref_slice %arg10[%dma_wait3A_156, %dma_wait3A_157] : memref<1024x32xf32, #tpu.memory_space<vmem>> -> memref<128x32xf32, #tpu.memory_space<vmem>>
        %dma_wait3A_159 = arith.constant 0 : i32
        %dma_wait3A_160 = tpu.memref_slice %arg7[%add3A_68, %dma_wait3A_159] : memref<32x128xi32, #tpu.memory_space<vmem>> -> memref<1x128xi32, #tpu.memory_space<vmem>>
        %dma_wait3A_161 = tpu.memref_squeeze %dma_wait3A_160 : memref<1x128xi32, #tpu.memory_space<vmem>> -> memref<128xi32, #tpu.memory_space<vmem>>
        %dma_wait3A_162 = arith.constant 0 : i32
        %dma_wait3A_163 = arith.constant 0 : i32
        %dma_wait3A_164 = tpu.memref_slice %arg5[%dma_wait3A_162, %dma_wait3A_163] : memref<100000x32xf32, #tpu.memory_space<hbm>> -> memref<100000x32xf32, #tpu.memory_space<hbm>>
        tpu.wait_indirect_dma semaphore(%arg11 : memref<!tpu.dma_semaphore, #tpu.memory_space<semaphore_mem>>) src(%dma_wait3A_164 : memref<100000x32xf32, #tpu.memory_space<hbm>>) dst(%dma_wait3A_158 : memref<128x32xf32, #tpu.memory_space<vmem>>)
        %dma_wait3A_165 = arith.constant 512 : i32
        %dma_wait3A_166 = arith.constant 0 : i32
        %dma_wait3A_167 = tpu.memref_slice %arg10[%dma_wait3A_165, %dma_wait3A_166] : memref<1024x32xf32, #tpu.memory_space<vmem>> -> memref<128x32xf32, #tpu.memory_space<vmem>>
        %dma_wait3A_168 = arith.constant 0 : i32
        %dma_wait3A_169 = tpu.memref_slice %arg7[%add3A_81, %dma_wait3A_168] : memref<32x128xi32, #tpu.memory_space<vmem>> -> memref<1x128xi32, #tpu.memory_space<vmem>>
        %dma_wait3A_170 = tpu.memref_squeeze %dma_wait3A_169 : memref<1x128xi32, #tpu.memory_space<vmem>> -> memref<128xi32, #tpu.memory_space<vmem>>
        %dma_wait3A_171 = arith.constant 0 : i32
        %dma_wait3A_172 = arith.constant 0 : i32
        %dma_wait3A_173 = tpu.memref_slice %arg5[%dma_wait3A_171, %dma_wait3A_172] : memref<100000x32xf32, #tpu.memory_space<hbm>> -> memref<100000x32xf32, #tpu.memory_space<hbm>>
        tpu.wait_indirect_dma semaphore(%arg11 : memref<!tpu.dma_semaphore, #tpu.memory_space<semaphore_mem>>) src(%dma_wait3A_173 : memref<100000x32xf32, #tpu.memory_space<hbm>>) dst(%dma_wait3A_167 : memref<128x32xf32, #tpu.memory_space<vmem>>)
        %dma_wait3A_174 = arith.constant 640 : i32
        %dma_wait3A_175 = arith.constant 0 : i32
        %dma_wait3A_176 = tpu.memref_slice %arg10[%dma_wait3A_174, %dma_wait3A_175] : memref<1024x32xf32, #tpu.memory_space<vmem>> -> memref<128x32xf32, #tpu.memory_space<vmem>>
        %dma_wait3A_177 = arith.constant 0 : i32
        %dma_wait3A_178 = tpu.memref_slice %arg7[%add3A_94, %dma_wait3A_177] : memref<32x128xi32, #tpu.memory_space<vmem>> -> memref<1x128xi32, #tpu.memory_space<vmem>>
        %dma_wait3A_179 = tpu.memref_squeeze %dma_wait3A_178 : memref<1x128xi32, #tpu.memory_space<vmem>> -> memref<128xi32, #tpu.memory_space<vmem>>
        %dma_wait3A_180 = arith.constant 0 : i32
        %dma_wait3A_181 = arith.constant 0 : i32
        %dma_wait3A_182 = tpu.memref_slice %arg5[%dma_wait3A_180, %dma_wait3A_181] : memref<100000x32xf32, #tpu.memory_space<hbm>> -> memref<100000x32xf32, #tpu.memory_space<hbm>>
        tpu.wait_indirect_dma semaphore(%arg11 : memref<!tpu.dma_semaphore, #tpu.memory_space<semaphore_mem>>) src(%dma_wait3A_182 : memref<100000x32xf32, #tpu.memory_space<hbm>>) dst(%dma_wait3A_176 : memref<128x32xf32, #tpu.memory_space<vmem>>)
        %dma_wait3A_183 = arith.constant 768 : i32
        %dma_wait3A_184 = arith.constant 0 : i32
        %dma_wait3A_185 = tpu.memref_slice %arg10[%dma_wait3A_183, %dma_wait3A_184] : memref<1024x32xf32, #tpu.memory_space<vmem>> -> memref<128x32xf32, #tpu.memory_space<vmem>>
        %dma_wait3A_186 = arith.constant 0 : i32
        %dma_wait3A_187 = tpu.memref_slice %arg7[%add3A_107, %dma_wait3A_186] : memref<32x128xi32, #tpu.memory_space<vmem>> -> memref<1x128xi32, #tpu.memory_space<vmem>>
        %dma_wait3A_188 = tpu.memref_squeeze %dma_wait3A_187 : memref<1x128xi32, #tpu.memory_space<vmem>> -> memref<128xi32, #tpu.memory_space<vmem>>
        %dma_wait3A_189 = arith.constant 0 : i32
        %dma_wait3A_190 = arith.constant 0 : i32
        %dma_wait3A_191 = tpu.memref_slice %arg5[%dma_wait3A_189, %dma_wait3A_190] : memref<100000x32xf32, #tpu.memory_space<hbm>> -> memref<100000x32xf32, #tpu.memory_space<hbm>>
        tpu.wait_indirect_dma semaphore(%arg11 : memref<!tpu.dma_semaphore, #tpu.memory_space<semaphore_mem>>) src(%dma_wait3A_191 : memref<100000x32xf32, #tpu.memory_space<hbm>>) dst(%dma_wait3A_185 : memref<128x32xf32, #tpu.memory_space<vmem>>)
        %dma_wait3A_192 = arith.constant 896 : i32
        %dma_wait3A_193 = arith.constant 0 : i32
        %dma_wait3A_194 = tpu.memref_slice %arg10[%dma_wait3A_192, %dma_wait3A_193] : memref<1024x32xf32, #tpu.memory_space<vmem>> -> memref<128x32xf32, #tpu.memory_space<vmem>>
        %dma_wait3A_195 = arith.constant 0 : i32
        %dma_wait3A_196 = tpu.memref_slice %arg7[%add3A_120, %dma_wait3A_195] : memref<32x128xi32, #tpu.memory_space<vmem>> -> memref<1x128xi32, #tpu.memory_space<vmem>>
        %dma_wait3A_197 = tpu.memref_squeeze %dma_wait3A_196 : memref<1x128xi32, #tpu.memory_space<vmem>> -> memref<128xi32, #tpu.memory_space<vmem>>
        %dma_wait3A_198 = arith.constant 0 : i32
        %dma_wait3A_199 = arith.constant 0 : i32
        %dma_wait3A_200 = tpu.memref_slice %arg5[%dma_wait3A_198, %dma_wait3A_199] : memref<100000x32xf32, #tpu.memory_space<hbm>> -> memref<100000x32xf32, #tpu.memory_space<hbm>>
        tpu.wait_indirect_dma semaphore(%arg11 : memref<!tpu.dma_semaphore, #tpu.memory_space<semaphore_mem>>) src(%dma_wait3A_200 : memref<100000x32xf32, #tpu.memory_space<hbm>>) dst(%dma_wait3A_194 : memref<128x32xf32, #tpu.memory_space<vmem>>)
        %mul3A_201 = arith.constant 1024 : i32
        %mul3A_202 = arith.muli %scan3A_26, %mul3A_201 : i32
        "tpu.region"() ({
          %run_scoped3A = tpu.sem_alloc : memref<!tpu.dma_semaphore, #tpu.memory_space<semaphore_mem>>
          %dma_start3A_203 = tpu.memref_slice %arg6[%mul3A_202, %add3A_10] : memref<4096x1536xf32, #tpu.memory_space<hbm>> -> memref<1024x32xf32, #tpu.memory_space<hbm>>
          %dma_start3A_204 = tpu.memref_slice %arg6[%mul3A_202, %add3A_10] : memref<4096x1536xf32, #tpu.memory_space<hbm>> -> memref<1024x32xf32, #tpu.memory_space<hbm>>
          tpu.enqueue_dma source(%arg10 : memref<1024x32xf32, #tpu.memory_space<vmem>>) target(%dma_start3A_204 : memref<1024x32xf32, #tpu.memory_space<hbm>>) target_semaphore(%run_scoped3A : memref<!tpu.dma_semaphore, #tpu.memory_space<semaphore_mem>>)
          %dma_wait3A_205 = tpu.memref_slice %arg6[%mul3A_202, %add3A_10] : memref<4096x1536xf32, #tpu.memory_space<hbm>> -> memref<1024x32xf32, #tpu.memory_space<hbm>>
          %dma_wait3A_206 = tpu.memref_slice %arg6[%mul3A_202, %add3A_10] : memref<4096x1536xf32, #tpu.memory_space<hbm>> -> memref<1024x32xf32, #tpu.memory_space<hbm>>
          tpu.wait_dma2 semaphore(%run_scoped3A : memref<!tpu.dma_semaphore, #tpu.memory_space<semaphore_mem>>) src(%arg10 : memref<1024x32xf32, #tpu.memory_space<vmem>>) dst(%dma_wait3A_206 : memref<1024x32xf32, #tpu.memory_space<hbm>>)
          tpu.yield
        }) : () -> ()
      }
      %scan3A_15 = arith.constant 4 : i32
      "tpu.region"() ({
        %run_scoped3A = tpu.sem_alloc : memref<!tpu.dma_semaphore, #tpu.memory_space<semaphore_mem>>
        %dma_start3A = arith.constant 0 : i32
        %dma_start3A_26 = arith.constant 0 : i32
        %dma_start3A_27 = tpu.memref_slice %arg2[%add3A, %dma_start3A, %dma_start3A_26] : memref<26x32x128xi32, #tpu.memory_space<hbm>> -> memref<1x32x128xi32, #tpu.memory_space<hbm>>
        %dma_start3A_28 = tpu.memref_squeeze %dma_start3A_27 : memref<1x32x128xi32, #tpu.memory_space<hbm>> -> memref<32x128xi32, #tpu.memory_space<hbm>>
        %dma_start3A_29 = arith.constant 0 : i32
        %dma_start3A_30 = arith.constant 0 : i32
        %dma_start3A_31 = tpu.memref_slice %arg2[%add3A, %dma_start3A_29, %dma_start3A_30] : memref<26x32x128xi32, #tpu.memory_space<hbm>> -> memref<1x32x128xi32, #tpu.memory_space<hbm>>
        %dma_start3A_32 = tpu.memref_squeeze %dma_start3A_31 : memref<1x32x128xi32, #tpu.memory_space<hbm>> -> memref<32x128xi32, #tpu.memory_space<hbm>>
        tpu.enqueue_dma source(%dma_start3A_32 : memref<32x128xi32, #tpu.memory_space<hbm>>) target(%arg7 : memref<32x128xi32, #tpu.memory_space<vmem>>) target_semaphore(%run_scoped3A : memref<!tpu.dma_semaphore, #tpu.memory_space<semaphore_mem>>)
        %dma_wait3A = arith.constant 0 : i32
        %dma_wait3A_33 = arith.constant 0 : i32
        %dma_wait3A_34 = tpu.memref_slice %arg2[%add3A, %dma_wait3A, %dma_wait3A_33] : memref<26x32x128xi32, #tpu.memory_space<hbm>> -> memref<1x32x128xi32, #tpu.memory_space<hbm>>
        %dma_wait3A_35 = tpu.memref_squeeze %dma_wait3A_34 : memref<1x32x128xi32, #tpu.memory_space<hbm>> -> memref<32x128xi32, #tpu.memory_space<hbm>>
        %dma_wait3A_36 = arith.constant 0 : i32
        %dma_wait3A_37 = arith.constant 0 : i32
        %dma_wait3A_38 = tpu.memref_slice %arg2[%add3A, %dma_wait3A_36, %dma_wait3A_37] : memref<26x32x128xi32, #tpu.memory_space<hbm>> -> memref<1x32x128xi32, #tpu.memory_space<hbm>>
        %dma_wait3A_39 = tpu.memref_squeeze %dma_wait3A_38 : memref<1x32x128xi32, #tpu.memory_space<hbm>> -> memref<32x128xi32, #tpu.memory_space<hbm>>
        tpu.wait_dma2 semaphore(%run_scoped3A : memref<!tpu.dma_semaphore, #tpu.memory_space<semaphore_mem>>) src(%dma_wait3A_39 : memref<32x128xi32, #tpu.memory_space<hbm>>) dst(%arg7 : memref<32x128xi32, #tpu.memory_space<vmem>>)
        tpu.yield
      }) : () -> ()
      %mul3A_16 = arith.constant 16 : i32
      %mul3A_17 = arith.muli %add3A, %mul3A_16 : i32
      %add3A_18 = arith.constant 208 : i32
      %add3A_19 = arith.addi %add3A_18, %mul3A_17 : i32
      %scan3A_20 = arith.constant 0 : i32
      %scan3A_21 = arith.constant 0 : i32
      %scan3A_22 = arith.constant 4 : i32
      %scan3A_23 = arith.addi %scan3A_21, %scan3A_22 : i32
      %scan3A_24 = arith.constant 1 : i32
      scf.for %scan3A_26 = %scan3A_21 to %scan3A_23 step %scan3A_24  : i32 {
        %mul3A_27 = arith.constant 8 : i32
        %mul3A_28 = arith.muli %scan3A_26, %mul3A_27 : i32
        %add3A_29 = arith.constant 0 : i32
        %add3A_30 = arith.addi %mul3A_28, %add3A_29 : i32
        %dma_start3A = arith.constant 0 : i32
        %dma_start3A_31 = arith.constant 0 : i32
        %dma_start3A_32 = tpu.memref_slice %arg9[%dma_start3A, %dma_start3A_31] : memref<1024x16xf32, #tpu.memory_space<vmem>> -> memref<128x16xf32, #tpu.memory_space<vmem>>
        %dma_start3A_33 = arith.constant 0 : i32
        %dma_start3A_34 = tpu.memref_slice %arg7[%add3A_30, %dma_start3A_33] : memref<32x128xi32, #tpu.memory_space<vmem>> -> memref<1x128xi32, #tpu.memory_space<vmem>>
        %dma_start3A_35 = tpu.memref_squeeze %dma_start3A_34 : memref<1x128xi32, #tpu.memory_space<vmem>> -> memref<128xi32, #tpu.memory_space<vmem>>
        %dma_start3A_36 = arith.constant 0 : i32
        %dma_start3A_37 = arith.constant 0 : i32
        %dma_start3A_38 = tpu.memref_slice %arg4[%dma_start3A_36, %dma_start3A_37] : memref<100000x16xf32, #tpu.memory_space<hbm>> -> memref<100000x16xf32, #tpu.memory_space<hbm>>
        tpu.enqueue_indirect_dma source(%dma_start3A_38 : memref<100000x16xf32, #tpu.memory_space<hbm>>) target(%dma_start3A_32 : memref<128x16xf32, #tpu.memory_space<vmem>>) offsets(%dma_start3A_35 : memref<128xi32, #tpu.memory_space<vmem>>) semaphore(%arg11 : memref<!tpu.dma_semaphore, #tpu.memory_space<semaphore_mem>>)
        %mul3A_39 = arith.constant 8 : i32
        %mul3A_40 = arith.muli %scan3A_26, %mul3A_39 : i32
        %add3A_41 = arith.constant 1 : i32
        %add3A_42 = arith.addi %mul3A_40, %add3A_41 : i32
        %dma_start3A_43 = arith.constant 128 : i32
        %dma_start3A_44 = arith.constant 0 : i32
        %dma_start3A_45 = tpu.memref_slice %arg9[%dma_start3A_43, %dma_start3A_44] : memref<1024x16xf32, #tpu.memory_space<vmem>> -> memref<128x16xf32, #tpu.memory_space<vmem>>
        %dma_start3A_46 = arith.constant 0 : i32
        %dma_start3A_47 = tpu.memref_slice %arg7[%add3A_42, %dma_start3A_46] : memref<32x128xi32, #tpu.memory_space<vmem>> -> memref<1x128xi32, #tpu.memory_space<vmem>>
        %dma_start3A_48 = tpu.memref_squeeze %dma_start3A_47 : memref<1x128xi32, #tpu.memory_space<vmem>> -> memref<128xi32, #tpu.memory_space<vmem>>
        %dma_start3A_49 = arith.constant 0 : i32
        %dma_start3A_50 = arith.constant 0 : i32
        %dma_start3A_51 = tpu.memref_slice %arg4[%dma_start3A_49, %dma_start3A_50] : memref<100000x16xf32, #tpu.memory_space<hbm>> -> memref<100000x16xf32, #tpu.memory_space<hbm>>
        tpu.enqueue_indirect_dma source(%dma_start3A_51 : memref<100000x16xf32, #tpu.memory_space<hbm>>) target(%dma_start3A_45 : memref<128x16xf32, #tpu.memory_space<vmem>>) offsets(%dma_start3A_48 : memref<128xi32, #tpu.memory_space<vmem>>) semaphore(%arg11 : memref<!tpu.dma_semaphore, #tpu.memory_space<semaphore_mem>>)
        %mul3A_52 = arith.constant 8 : i32
        %mul3A_53 = arith.muli %scan3A_26, %mul3A_52 : i32
        %add3A_54 = arith.constant 2 : i32
        %add3A_55 = arith.addi %mul3A_53, %add3A_54 : i32
        %dma_start3A_56 = arith.constant 256 : i32
        %dma_start3A_57 = arith.constant 0 : i32
        %dma_start3A_58 = tpu.memref_slice %arg9[%dma_start3A_56, %dma_start3A_57] : memref<1024x16xf32, #tpu.memory_space<vmem>> -> memref<128x16xf32, #tpu.memory_space<vmem>>
        %dma_start3A_59 = arith.constant 0 : i32
        %dma_start3A_60 = tpu.memref_slice %arg7[%add3A_55, %dma_start3A_59] : memref<32x128xi32, #tpu.memory_space<vmem>> -> memref<1x128xi32, #tpu.memory_space<vmem>>
        %dma_start3A_61 = tpu.memref_squeeze %dma_start3A_60 : memref<1x128xi32, #tpu.memory_space<vmem>> -> memref<128xi32, #tpu.memory_space<vmem>>
        %dma_start3A_62 = arith.constant 0 : i32
        %dma_start3A_63 = arith.constant 0 : i32
        %dma_start3A_64 = tpu.memref_slice %arg4[%dma_start3A_62, %dma_start3A_63] : memref<100000x16xf32, #tpu.memory_space<hbm>> -> memref<100000x16xf32, #tpu.memory_space<hbm>>
        tpu.enqueue_indirect_dma source(%dma_start3A_64 : memref<100000x16xf32, #tpu.memory_space<hbm>>) target(%dma_start3A_58 : memref<128x16xf32, #tpu.memory_space<vmem>>) offsets(%dma_start3A_61 : memref<128xi32, #tpu.memory_space<vmem>>) semaphore(%arg11 : memref<!tpu.dma_semaphore, #tpu.memory_space<semaphore_mem>>)
        %mul3A_65 = arith.constant 8 : i32
        %mul3A_66 = arith.muli %scan3A_26, %mul3A_65 : i32
        %add3A_67 = arith.constant 3 : i32
        %add3A_68 = arith.addi %mul3A_66, %add3A_67 : i32
        %dma_start3A_69 = arith.constant 384 : i32
        %dma_start3A_70 = arith.constant 0 : i32
        %dma_start3A_71 = tpu.memref_slice %arg9[%dma_start3A_69, %dma_start3A_70] : memref<1024x16xf32, #tpu.memory_space<vmem>> -> memref<128x16xf32, #tpu.memory_space<vmem>>
        %dma_start3A_72 = arith.constant 0 : i32
        %dma_start3A_73 = tpu.memref_slice %arg7[%add3A_68, %dma_start3A_72] : memref<32x128xi32, #tpu.memory_space<vmem>> -> memref<1x128xi32, #tpu.memory_space<vmem>>
        %dma_start3A_74 = tpu.memref_squeeze %dma_start3A_73 : memref<1x128xi32, #tpu.memory_space<vmem>> -> memref<128xi32, #tpu.memory_space<vmem>>
        %dma_start3A_75 = arith.constant 0 : i32
        %dma_start3A_76 = arith.constant 0 : i32
        %dma_start3A_77 = tpu.memref_slice %arg4[%dma_start3A_75, %dma_start3A_76] : memref<100000x16xf32, #tpu.memory_space<hbm>> -> memref<100000x16xf32, #tpu.memory_space<hbm>>
        tpu.enqueue_indirect_dma source(%dma_start3A_77 : memref<100000x16xf32, #tpu.memory_space<hbm>>) target(%dma_start3A_71 : memref<128x16xf32, #tpu.memory_space<vmem>>) offsets(%dma_start3A_74 : memref<128xi32, #tpu.memory_space<vmem>>) semaphore(%arg11 : memref<!tpu.dma_semaphore, #tpu.memory_space<semaphore_mem>>)
        %mul3A_78 = arith.constant 8 : i32
        %mul3A_79 = arith.muli %scan3A_26, %mul3A_78 : i32
        %add3A_80 = arith.constant 4 : i32
        %add3A_81 = arith.addi %mul3A_79, %add3A_80 : i32
        %dma_start3A_82 = arith.constant 512 : i32
        %dma_start3A_83 = arith.constant 0 : i32
        %dma_start3A_84 = tpu.memref_slice %arg9[%dma_start3A_82, %dma_start3A_83] : memref<1024x16xf32, #tpu.memory_space<vmem>> -> memref<128x16xf32, #tpu.memory_space<vmem>>
        %dma_start3A_85 = arith.constant 0 : i32
        %dma_start3A_86 = tpu.memref_slice %arg7[%add3A_81, %dma_start3A_85] : memref<32x128xi32, #tpu.memory_space<vmem>> -> memref<1x128xi32, #tpu.memory_space<vmem>>
        %dma_start3A_87 = tpu.memref_squeeze %dma_start3A_86 : memref<1x128xi32, #tpu.memory_space<vmem>> -> memref<128xi32, #tpu.memory_space<vmem>>
        %dma_start3A_88 = arith.constant 0 : i32
        %dma_start3A_89 = arith.constant 0 : i32
        %dma_start3A_90 = tpu.memref_slice %arg4[%dma_start3A_88, %dma_start3A_89] : memref<100000x16xf32, #tpu.memory_space<hbm>> -> memref<100000x16xf32, #tpu.memory_space<hbm>>
        tpu.enqueue_indirect_dma source(%dma_start3A_90 : memref<100000x16xf32, #tpu.memory_space<hbm>>) target(%dma_start3A_84 : memref<128x16xf32, #tpu.memory_space<vmem>>) offsets(%dma_start3A_87 : memref<128xi32, #tpu.memory_space<vmem>>) semaphore(%arg11 : memref<!tpu.dma_semaphore, #tpu.memory_space<semaphore_mem>>)
        %mul3A_91 = arith.constant 8 : i32
        %mul3A_92 = arith.muli %scan3A_26, %mul3A_91 : i32
        %add3A_93 = arith.constant 5 : i32
        %add3A_94 = arith.addi %mul3A_92, %add3A_93 : i32
        %dma_start3A_95 = arith.constant 640 : i32
        %dma_start3A_96 = arith.constant 0 : i32
        %dma_start3A_97 = tpu.memref_slice %arg9[%dma_start3A_95, %dma_start3A_96] : memref<1024x16xf32, #tpu.memory_space<vmem>> -> memref<128x16xf32, #tpu.memory_space<vmem>>
        %dma_start3A_98 = arith.constant 0 : i32
        %dma_start3A_99 = tpu.memref_slice %arg7[%add3A_94, %dma_start3A_98] : memref<32x128xi32, #tpu.memory_space<vmem>> -> memref<1x128xi32, #tpu.memory_space<vmem>>
        %dma_start3A_100 = tpu.memref_squeeze %dma_start3A_99 : memref<1x128xi32, #tpu.memory_space<vmem>> -> memref<128xi32, #tpu.memory_space<vmem>>
        %dma_start3A_101 = arith.constant 0 : i32
        %dma_start3A_102 = arith.constant 0 : i32
        %dma_start3A_103 = tpu.memref_slice %arg4[%dma_start3A_101, %dma_start3A_102] : memref<100000x16xf32, #tpu.memory_space<hbm>> -> memref<100000x16xf32, #tpu.memory_space<hbm>>
        tpu.enqueue_indirect_dma source(%dma_start3A_103 : memref<100000x16xf32, #tpu.memory_space<hbm>>) target(%dma_start3A_97 : memref<128x16xf32, #tpu.memory_space<vmem>>) offsets(%dma_start3A_100 : memref<128xi32, #tpu.memory_space<vmem>>) semaphore(%arg11 : memref<!tpu.dma_semaphore, #tpu.memory_space<semaphore_mem>>)
        %mul3A_104 = arith.constant 8 : i32
        %mul3A_105 = arith.muli %scan3A_26, %mul3A_104 : i32
        %add3A_106 = arith.constant 6 : i32
        %add3A_107 = arith.addi %mul3A_105, %add3A_106 : i32
        %dma_start3A_108 = arith.constant 768 : i32
        %dma_start3A_109 = arith.constant 0 : i32
        %dma_start3A_110 = tpu.memref_slice %arg9[%dma_start3A_108, %dma_start3A_109] : memref<1024x16xf32, #tpu.memory_space<vmem>> -> memref<128x16xf32, #tpu.memory_space<vmem>>
        %dma_start3A_111 = arith.constant 0 : i32
        %dma_start3A_112 = tpu.memref_slice %arg7[%add3A_107, %dma_start3A_111] : memref<32x128xi32, #tpu.memory_space<vmem>> -> memref<1x128xi32, #tpu.memory_space<vmem>>
        %dma_start3A_113 = tpu.memref_squeeze %dma_start3A_112 : memref<1x128xi32, #tpu.memory_space<vmem>> -> memref<128xi32, #tpu.memory_space<vmem>>
        %dma_start3A_114 = arith.constant 0 : i32
        %dma_start3A_115 = arith.constant 0 : i32
        %dma_start3A_116 = tpu.memref_slice %arg4[%dma_start3A_114, %dma_start3A_115] : memref<100000x16xf32, #tpu.memory_space<hbm>> -> memref<100000x16xf32, #tpu.memory_space<hbm>>
        tpu.enqueue_indirect_dma source(%dma_start3A_116 : memref<100000x16xf32, #tpu.memory_space<hbm>>) target(%dma_start3A_110 : memref<128x16xf32, #tpu.memory_space<vmem>>) offsets(%dma_start3A_113 : memref<128xi32, #tpu.memory_space<vmem>>) semaphore(%arg11 : memref<!tpu.dma_semaphore, #tpu.memory_space<semaphore_mem>>)
        %mul3A_117 = arith.constant 8 : i32
        %mul3A_118 = arith.muli %scan3A_26, %mul3A_117 : i32
        %add3A_119 = arith.constant 7 : i32
        %add3A_120 = arith.addi %mul3A_118, %add3A_119 : i32
        %dma_start3A_121 = arith.constant 896 : i32
        %dma_start3A_122 = arith.constant 0 : i32
        %dma_start3A_123 = tpu.memref_slice %arg9[%dma_start3A_121, %dma_start3A_122] : memref<1024x16xf32, #tpu.memory_space<vmem>> -> memref<128x16xf32, #tpu.memory_space<vmem>>
        %dma_start3A_124 = arith.constant 0 : i32
        %dma_start3A_125 = tpu.memref_slice %arg7[%add3A_120, %dma_start3A_124] : memref<32x128xi32, #tpu.memory_space<vmem>> -> memref<1x128xi32, #tpu.memory_space<vmem>>
        %dma_start3A_126 = tpu.memref_squeeze %dma_start3A_125 : memref<1x128xi32, #tpu.memory_space<vmem>> -> memref<128xi32, #tpu.memory_space<vmem>>
        %dma_start3A_127 = arith.constant 0 : i32
        %dma_start3A_128 = arith.constant 0 : i32
        %dma_start3A_129 = tpu.memref_slice %arg4[%dma_start3A_127, %dma_start3A_128] : memref<100000x16xf32, #tpu.memory_space<hbm>> -> memref<100000x16xf32, #tpu.memory_space<hbm>>
        tpu.enqueue_indirect_dma source(%dma_start3A_129 : memref<100000x16xf32, #tpu.memory_space<hbm>>) target(%dma_start3A_123 : memref<128x16xf32, #tpu.memory_space<vmem>>) offsets(%dma_start3A_126 : memref<128xi32, #tpu.memory_space<vmem>>) semaphore(%arg11 : memref<!tpu.dma_semaphore, #tpu.memory_space<semaphore_mem>>)
        %dma_wait3A = arith.constant 0 : i32
        %dma_wait3A_130 = arith.constant 0 : i32
        %dma_wait3A_131 = tpu.memref_slice %arg9[%dma_wait3A, %dma_wait3A_130] : memref<1024x16xf32, #tpu.memory_space<vmem>> -> memref<128x16xf32, #tpu.memory_space<vmem>>
        %dma_wait3A_132 = arith.constant 0 : i32
        %dma_wait3A_133 = tpu.memref_slice %arg7[%add3A_30, %dma_wait3A_132] : memref<32x128xi32, #tpu.memory_space<vmem>> -> memref<1x128xi32, #tpu.memory_space<vmem>>
        %dma_wait3A_134 = tpu.memref_squeeze %dma_wait3A_133 : memref<1x128xi32, #tpu.memory_space<vmem>> -> memref<128xi32, #tpu.memory_space<vmem>>
        %dma_wait3A_135 = arith.constant 0 : i32
        %dma_wait3A_136 = arith.constant 0 : i32
        %dma_wait3A_137 = tpu.memref_slice %arg4[%dma_wait3A_135, %dma_wait3A_136] : memref<100000x16xf32, #tpu.memory_space<hbm>> -> memref<100000x16xf32, #tpu.memory_space<hbm>>
        tpu.wait_indirect_dma semaphore(%arg11 : memref<!tpu.dma_semaphore, #tpu.memory_space<semaphore_mem>>) src(%dma_wait3A_137 : memref<100000x16xf32, #tpu.memory_space<hbm>>) dst(%dma_wait3A_131 : memref<128x16xf32, #tpu.memory_space<vmem>>)
        %dma_wait3A_138 = arith.constant 128 : i32
        %dma_wait3A_139 = arith.constant 0 : i32
        %dma_wait3A_140 = tpu.memref_slice %arg9[%dma_wait3A_138, %dma_wait3A_139] : memref<1024x16xf32, #tpu.memory_space<vmem>> -> memref<128x16xf32, #tpu.memory_space<vmem>>
        %dma_wait3A_141 = arith.constant 0 : i32
        %dma_wait3A_142 = tpu.memref_slice %arg7[%add3A_42, %dma_wait3A_141] : memref<32x128xi32, #tpu.memory_space<vmem>> -> memref<1x128xi32, #tpu.memory_space<vmem>>
        %dma_wait3A_143 = tpu.memref_squeeze %dma_wait3A_142 : memref<1x128xi32, #tpu.memory_space<vmem>> -> memref<128xi32, #tpu.memory_space<vmem>>
        %dma_wait3A_144 = arith.constant 0 : i32
        %dma_wait3A_145 = arith.constant 0 : i32
        %dma_wait3A_146 = tpu.memref_slice %arg4[%dma_wait3A_144, %dma_wait3A_145] : memref<100000x16xf32, #tpu.memory_space<hbm>> -> memref<100000x16xf32, #tpu.memory_space<hbm>>
        tpu.wait_indirect_dma semaphore(%arg11 : memref<!tpu.dma_semaphore, #tpu.memory_space<semaphore_mem>>) src(%dma_wait3A_146 : memref<100000x16xf32, #tpu.memory_space<hbm>>) dst(%dma_wait3A_140 : memref<128x16xf32, #tpu.memory_space<vmem>>)
        %dma_wait3A_147 = arith.constant 256 : i32
        %dma_wait3A_148 = arith.constant 0 : i32
        %dma_wait3A_149 = tpu.memref_slice %arg9[%dma_wait3A_147, %dma_wait3A_148] : memref<1024x16xf32, #tpu.memory_space<vmem>> -> memref<128x16xf32, #tpu.memory_space<vmem>>
        %dma_wait3A_150 = arith.constant 0 : i32
        %dma_wait3A_151 = tpu.memref_slice %arg7[%add3A_55, %dma_wait3A_150] : memref<32x128xi32, #tpu.memory_space<vmem>> -> memref<1x128xi32, #tpu.memory_space<vmem>>
        %dma_wait3A_152 = tpu.memref_squeeze %dma_wait3A_151 : memref<1x128xi32, #tpu.memory_space<vmem>> -> memref<128xi32, #tpu.memory_space<vmem>>
        %dma_wait3A_153 = arith.constant 0 : i32
        %dma_wait3A_154 = arith.constant 0 : i32
        %dma_wait3A_155 = tpu.memref_slice %arg4[%dma_wait3A_153, %dma_wait3A_154] : memref<100000x16xf32, #tpu.memory_space<hbm>> -> memref<100000x16xf32, #tpu.memory_space<hbm>>
        tpu.wait_indirect_dma semaphore(%arg11 : memref<!tpu.dma_semaphore, #tpu.memory_space<semaphore_mem>>) src(%dma_wait3A_155 : memref<100000x16xf32, #tpu.memory_space<hbm>>) dst(%dma_wait3A_149 : memref<128x16xf32, #tpu.memory_space<vmem>>)
        %dma_wait3A_156 = arith.constant 384 : i32
        %dma_wait3A_157 = arith.constant 0 : i32
        %dma_wait3A_158 = tpu.memref_slice %arg9[%dma_wait3A_156, %dma_wait3A_157] : memref<1024x16xf32, #tpu.memory_space<vmem>> -> memref<128x16xf32, #tpu.memory_space<vmem>>
        %dma_wait3A_159 = arith.constant 0 : i32
        %dma_wait3A_160 = tpu.memref_slice %arg7[%add3A_68, %dma_wait3A_159] : memref<32x128xi32, #tpu.memory_space<vmem>> -> memref<1x128xi32, #tpu.memory_space<vmem>>
        %dma_wait3A_161 = tpu.memref_squeeze %dma_wait3A_160 : memref<1x128xi32, #tpu.memory_space<vmem>> -> memref<128xi32, #tpu.memory_space<vmem>>
        %dma_wait3A_162 = arith.constant 0 : i32
        %dma_wait3A_163 = arith.constant 0 : i32
        %dma_wait3A_164 = tpu.memref_slice %arg4[%dma_wait3A_162, %dma_wait3A_163] : memref<100000x16xf32, #tpu.memory_space<hbm>> -> memref<100000x16xf32, #tpu.memory_space<hbm>>
        tpu.wait_indirect_dma semaphore(%arg11 : memref<!tpu.dma_semaphore, #tpu.memory_space<semaphore_mem>>) src(%dma_wait3A_164 : memref<100000x16xf32, #tpu.memory_space<hbm>>) dst(%dma_wait3A_158 : memref<128x16xf32, #tpu.memory_space<vmem>>)
        %dma_wait3A_165 = arith.constant 512 : i32
        %dma_wait3A_166 = arith.constant 0 : i32
        %dma_wait3A_167 = tpu.memref_slice %arg9[%dma_wait3A_165, %dma_wait3A_166] : memref<1024x16xf32, #tpu.memory_space<vmem>> -> memref<128x16xf32, #tpu.memory_space<vmem>>
        %dma_wait3A_168 = arith.constant 0 : i32
        %dma_wait3A_169 = tpu.memref_slice %arg7[%add3A_81, %dma_wait3A_168] : memref<32x128xi32, #tpu.memory_space<vmem>> -> memref<1x128xi32, #tpu.memory_space<vmem>>
        %dma_wait3A_170 = tpu.memref_squeeze %dma_wait3A_169 : memref<1x128xi32, #tpu.memory_space<vmem>> -> memref<128xi32, #tpu.memory_space<vmem>>
        %dma_wait3A_171 = arith.constant 0 : i32
        %dma_wait3A_172 = arith.constant 0 : i32
        %dma_wait3A_173 = tpu.memref_slice %arg4[%dma_wait3A_171, %dma_wait3A_172] : memref<100000x16xf32, #tpu.memory_space<hbm>> -> memref<100000x16xf32, #tpu.memory_space<hbm>>
        tpu.wait_indirect_dma semaphore(%arg11 : memref<!tpu.dma_semaphore, #tpu.memory_space<semaphore_mem>>) src(%dma_wait3A_173 : memref<100000x16xf32, #tpu.memory_space<hbm>>) dst(%dma_wait3A_167 : memref<128x16xf32, #tpu.memory_space<vmem>>)
        %dma_wait3A_174 = arith.constant 640 : i32
        %dma_wait3A_175 = arith.constant 0 : i32
        %dma_wait3A_176 = tpu.memref_slice %arg9[%dma_wait3A_174, %dma_wait3A_175] : memref<1024x16xf32, #tpu.memory_space<vmem>> -> memref<128x16xf32, #tpu.memory_space<vmem>>
        %dma_wait3A_177 = arith.constant 0 : i32
        %dma_wait3A_178 = tpu.memref_slice %arg7[%add3A_94, %dma_wait3A_177] : memref<32x128xi32, #tpu.memory_space<vmem>> -> memref<1x128xi32, #tpu.memory_space<vmem>>
        %dma_wait3A_179 = tpu.memref_squeeze %dma_wait3A_178 : memref<1x128xi32, #tpu.memory_space<vmem>> -> memref<128xi32, #tpu.memory_space<vmem>>
        %dma_wait3A_180 = arith.constant 0 : i32
        %dma_wait3A_181 = arith.constant 0 : i32
        %dma_wait3A_182 = tpu.memref_slice %arg4[%dma_wait3A_180, %dma_wait3A_181] : memref<100000x16xf32, #tpu.memory_space<hbm>> -> memref<100000x16xf32, #tpu.memory_space<hbm>>
        tpu.wait_indirect_dma semaphore(%arg11 : memref<!tpu.dma_semaphore, #tpu.memory_space<semaphore_mem>>) src(%dma_wait3A_182 : memref<100000x16xf32, #tpu.memory_space<hbm>>) dst(%dma_wait3A_176 : memref<128x16xf32, #tpu.memory_space<vmem>>)
        %dma_wait3A_183 = arith.constant 768 : i32
        %dma_wait3A_184 = arith.constant 0 : i32
        %dma_wait3A_185 = tpu.memref_slice %arg9[%dma_wait3A_183, %dma_wait3A_184] : memref<1024x16xf32, #tpu.memory_space<vmem>> -> memref<128x16xf32, #tpu.memory_space<vmem>>
        %dma_wait3A_186 = arith.constant 0 : i32
        %dma_wait3A_187 = tpu.memref_slice %arg7[%add3A_107, %dma_wait3A_186] : memref<32x128xi32, #tpu.memory_space<vmem>> -> memref<1x128xi32, #tpu.memory_space<vmem>>
        %dma_wait3A_188 = tpu.memref_squeeze %dma_wait3A_187 : memref<1x128xi32, #tpu.memory_space<vmem>> -> memref<128xi32, #tpu.memory_space<vmem>>
        %dma_wait3A_189 = arith.constant 0 : i32
        %dma_wait3A_190 = arith.constant 0 : i32
        %dma_wait3A_191 = tpu.memref_slice %arg4[%dma_wait3A_189, %dma_wait3A_190] : memref<100000x16xf32, #tpu.memory_space<hbm>> -> memref<100000x16xf32, #tpu.memory_space<hbm>>
        tpu.wait_indirect_dma semaphore(%arg11 : memref<!tpu.dma_semaphore, #tpu.memory_space<semaphore_mem>>) src(%dma_wait3A_191 : memref<100000x16xf32, #tpu.memory_space<hbm>>) dst(%dma_wait3A_185 : memref<128x16xf32, #tpu.memory_space<vmem>>)
        %dma_wait3A_192 = arith.constant 896 : i32
        %dma_wait3A_193 = arith.constant 0 : i32
        %dma_wait3A_194 = tpu.memref_slice %arg9[%dma_wait3A_192, %dma_wait3A_193] : memref<1024x16xf32, #tpu.memory_space<vmem>> -> memref<128x16xf32, #tpu.memory_space<vmem>>
        %dma_wait3A_195 = arith.constant 0 : i32
        %dma_wait3A_196 = tpu.memref_slice %arg7[%add3A_120, %dma_wait3A_195] : memref<32x128xi32, #tpu.memory_space<vmem>> -> memref<1x128xi32, #tpu.memory_space<vmem>>
        %dma_wait3A_197 = tpu.memref_squeeze %dma_wait3A_196 : memref<1x128xi32, #tpu.memory_space<vmem>> -> memref<128xi32, #tpu.memory_space<vmem>>
        %dma_wait3A_198 = arith.constant 0 : i32
        %dma_wait3A_199 = arith.constant 0 : i32
        %dma_wait3A_200 = tpu.memref_slice %arg4[%dma_wait3A_198, %dma_wait3A_199] : memref<100000x16xf32, #tpu.memory_space<hbm>> -> memref<100000x16xf32, #tpu.memory_space<hbm>>
        tpu.wait_indirect_dma semaphore(%arg11 : memref<!tpu.dma_semaphore, #tpu.memory_space<semaphore_mem>>) src(%dma_wait3A_200 : memref<100000x16xf32, #tpu.memory_space<hbm>>) dst(%dma_wait3A_194 : memref<128x16xf32, #tpu.memory_space<vmem>>)
        %mul3A_201 = arith.constant 1024 : i32
        %mul3A_202 = arith.muli %scan3A_26, %mul3A_201 : i32
        "tpu.region"() ({
          %run_scoped3A = tpu.sem_alloc : memref<!tpu.dma_semaphore, #tpu.memory_space<semaphore_mem>>
          %dma_start3A_203 = tpu.memref_slice %arg6[%mul3A_202, %add3A_19] : memref<4096x1536xf32, #tpu.memory_space<hbm>> -> memref<1024x16xf32, #tpu.memory_space<hbm>>
          %dma_start3A_204 = tpu.memref_slice %arg6[%mul3A_202, %add3A_19] : memref<4096x1536xf32, #tpu.memory_space<hbm>> -> memref<1024x16xf32, #tpu.memory_space<hbm>>
          tpu.enqueue_dma source(%arg9 : memref<1024x16xf32, #tpu.memory_space<vmem>>) target(%dma_start3A_204 : memref<1024x16xf32, #tpu.memory_space<hbm>>) target_semaphore(%run_scoped3A : memref<!tpu.dma_semaphore, #tpu.memory_space<semaphore_mem>>)
          %dma_wait3A_205 = tpu.memref_slice %arg6[%mul3A_202, %add3A_19] : memref<4096x1536xf32, #tpu.memory_space<hbm>> -> memref<1024x16xf32, #tpu.memory_space<hbm>>
          %dma_wait3A_206 = tpu.memref_slice %arg6[%mul3A_202, %add3A_19] : memref<4096x1536xf32, #tpu.memory_space<hbm>> -> memref<1024x16xf32, #tpu.memory_space<hbm>>
          tpu.wait_dma2 semaphore(%run_scoped3A : memref<!tpu.dma_semaphore, #tpu.memory_space<semaphore_mem>>) src(%arg9 : memref<1024x16xf32, #tpu.memory_space<vmem>>) dst(%dma_wait3A_206 : memref<1024x16xf32, #tpu.memory_space<hbm>>)
          tpu.yield
        }) : () -> ()
      }
      %scan3A_25 = arith.constant 4 : i32
    } else {
    }
    %ge3A = arith.constant 26 : i32
    %ge3A_3 = arith.cmpi sge, %add3A, %ge3A : i32
    %convert_element_type3A_4 = arith.extui %ge3A_3 : i1 to i32
    %cond3A_5 = arith.constant 0 : i32
    %cond3A_6 = arith.cmpi ne, %convert_element_type3A_4, %cond3A_5 : i32
    scf.if %cond3A_6 {
      %scan3A = arith.constant 0 : i32
      %scan3A_7 = arith.constant 0 : i32
      %scan3A_8 = arith.constant 5 : i32
      %scan3A_9 = arith.addi %scan3A_7, %scan3A_8 : i32
      %scan3A_10 = arith.constant 1 : i32
      scf.for %scan3A_12 = %scan3A_7 to %scan3A_9 step %scan3A_10  : i32 {
        %sub3A = arith.constant 26 : i32
        %sub3A_13 = arith.subi %add3A, %sub3A : i32
        %mul3A_14 = arith.constant 6 : i32
        %mul3A_15 = arith.muli %mul3A_14, %scan3A_12 : i32
        %add3A_16 = arith.addi %sub3A_13, %mul3A_15 : i32
        %lt3A_17 = arith.constant 26 : i32
        %lt3A_18 = arith.cmpi slt, %add3A_16, %lt3A_17 : i32
        %convert_element_type3A_19 = arith.extui %lt3A_18 : i1 to i32
        %cond3A_20 = arith.constant 0 : i32
        %cond3A_21 = arith.cmpi ne, %convert_element_type3A_19, %cond3A_20 : i32
        scf.if %cond3A_21 {
          "tpu.region"() ({
            %run_scoped3A = tpu.sem_alloc : memref<!tpu.dma_semaphore, #tpu.memory_space<semaphore_mem>>
            %dma_start3A = arith.constant 0 : i32
            %dma_start3A_32 = arith.constant 0 : i32
            %dma_start3A_33 = tpu.memref_slice %arg2[%add3A_16, %dma_start3A, %dma_start3A_32] : memref<26x32x128xi32, #tpu.memory_space<hbm>> -> memref<1x32x128xi32, #tpu.memory_space<hbm>>
            %dma_start3A_34 = tpu.memref_squeeze %dma_start3A_33 : memref<1x32x128xi32, #tpu.memory_space<hbm>> -> memref<32x128xi32, #tpu.memory_space<hbm>>
            %dma_start3A_35 = arith.constant 0 : i32
            %dma_start3A_36 = arith.constant 0 : i32
            %dma_start3A_37 = tpu.memref_slice %arg2[%add3A_16, %dma_start3A_35, %dma_start3A_36] : memref<26x32x128xi32, #tpu.memory_space<hbm>> -> memref<1x32x128xi32, #tpu.memory_space<hbm>>
            %dma_start3A_38 = tpu.memref_squeeze %dma_start3A_37 : memref<1x32x128xi32, #tpu.memory_space<hbm>> -> memref<32x128xi32, #tpu.memory_space<hbm>>
            tpu.enqueue_dma source(%dma_start3A_38 : memref<32x128xi32, #tpu.memory_space<hbm>>) target(%arg7 : memref<32x128xi32, #tpu.memory_space<vmem>>) target_semaphore(%run_scoped3A : memref<!tpu.dma_semaphore, #tpu.memory_space<semaphore_mem>>)
            %dma_wait3A = arith.constant 0 : i32
            %dma_wait3A_39 = arith.constant 0 : i32
            %dma_wait3A_40 = tpu.memref_slice %arg2[%add3A_16, %dma_wait3A, %dma_wait3A_39] : memref<26x32x128xi32, #tpu.memory_space<hbm>> -> memref<1x32x128xi32, #tpu.memory_space<hbm>>
            %dma_wait3A_41 = tpu.memref_squeeze %dma_wait3A_40 : memref<1x32x128xi32, #tpu.memory_space<hbm>> -> memref<32x128xi32, #tpu.memory_space<hbm>>
            %dma_wait3A_42 = arith.constant 0 : i32
            %dma_wait3A_43 = arith.constant 0 : i32
            %dma_wait3A_44 = tpu.memref_slice %arg2[%add3A_16, %dma_wait3A_42, %dma_wait3A_43] : memref<26x32x128xi32, #tpu.memory_space<hbm>> -> memref<1x32x128xi32, #tpu.memory_space<hbm>>
            %dma_wait3A_45 = tpu.memref_squeeze %dma_wait3A_44 : memref<1x32x128xi32, #tpu.memory_space<hbm>> -> memref<32x128xi32, #tpu.memory_space<hbm>>
            tpu.wait_dma2 semaphore(%run_scoped3A : memref<!tpu.dma_semaphore, #tpu.memory_space<semaphore_mem>>) src(%dma_wait3A_45 : memref<32x128xi32, #tpu.memory_space<hbm>>) dst(%arg7 : memref<32x128xi32, #tpu.memory_space<vmem>>)
            tpu.yield
          }) : () -> ()
          %mul3A_22 = arith.constant 8 : i32
          %mul3A_23 = arith.muli %add3A_16, %mul3A_22 : i32
          %add3A_24 = arith.constant 0 : i32
          %add3A_25 = arith.addi %add3A_24, %mul3A_23 : i32
          %scan3A_26 = arith.constant 0 : i32
          %scan3A_27 = arith.constant 0 : i32
          %scan3A_28 = arith.constant 4 : i32
          %scan3A_29 = arith.addi %scan3A_27, %scan3A_28 : i32
          %scan3A_30 = arith.constant 1 : i32
          scf.for %scan3A_32 = %scan3A_27 to %scan3A_29 step %scan3A_30  : i32 {
            %mul3A_33 = arith.constant 8 : i32
            %mul3A_34 = arith.muli %scan3A_32, %mul3A_33 : i32
            %add3A_35 = arith.constant 0 : i32
            %add3A_36 = arith.addi %mul3A_34, %add3A_35 : i32
            %dma_start3A = arith.constant 0 : i32
            %dma_start3A_37 = arith.constant 0 : i32
            %dma_start3A_38 = tpu.memref_slice %arg8[%dma_start3A, %dma_start3A_37] : memref<1024x8xf32, #tpu.memory_space<vmem>> -> memref<128x8xf32, #tpu.memory_space<vmem>>
            %dma_start3A_39 = arith.constant 0 : i32
            %dma_start3A_40 = tpu.memref_slice %arg7[%add3A_36, %dma_start3A_39] : memref<32x128xi32, #tpu.memory_space<vmem>> -> memref<1x128xi32, #tpu.memory_space<vmem>>
            %dma_start3A_41 = tpu.memref_squeeze %dma_start3A_40 : memref<1x128xi32, #tpu.memory_space<vmem>> -> memref<128xi32, #tpu.memory_space<vmem>>
            %dma_start3A_42 = arith.constant 0 : i32
            %dma_start3A_43 = arith.constant 0 : i32
            %dma_start3A_44 = tpu.memref_slice %arg3[%dma_start3A_42, %dma_start3A_43] : memref<100000x8xf32, #tpu.memory_space<hbm>> -> memref<100000x8xf32, #tpu.memory_space<hbm>>
            tpu.enqueue_indirect_dma source(%dma_start3A_44 : memref<100000x8xf32, #tpu.memory_space<hbm>>) target(%dma_start3A_38 : memref<128x8xf32, #tpu.memory_space<vmem>>) offsets(%dma_start3A_41 : memref<128xi32, #tpu.memory_space<vmem>>) semaphore(%arg11 : memref<!tpu.dma_semaphore, #tpu.memory_space<semaphore_mem>>)
            %mul3A_45 = arith.constant 8 : i32
            %mul3A_46 = arith.muli %scan3A_32, %mul3A_45 : i32
            %add3A_47 = arith.constant 1 : i32
            %add3A_48 = arith.addi %mul3A_46, %add3A_47 : i32
            %dma_start3A_49 = arith.constant 128 : i32
            %dma_start3A_50 = arith.constant 0 : i32
            %dma_start3A_51 = tpu.memref_slice %arg8[%dma_start3A_49, %dma_start3A_50] : memref<1024x8xf32, #tpu.memory_space<vmem>> -> memref<128x8xf32, #tpu.memory_space<vmem>>
            %dma_start3A_52 = arith.constant 0 : i32
            %dma_start3A_53 = tpu.memref_slice %arg7[%add3A_48, %dma_start3A_52] : memref<32x128xi32, #tpu.memory_space<vmem>> -> memref<1x128xi32, #tpu.memory_space<vmem>>
            %dma_start3A_54 = tpu.memref_squeeze %dma_start3A_53 : memref<1x128xi32, #tpu.memory_space<vmem>> -> memref<128xi32, #tpu.memory_space<vmem>>
            %dma_start3A_55 = arith.constant 0 : i32
            %dma_start3A_56 = arith.constant 0 : i32
            %dma_start3A_57 = tpu.memref_slice %arg3[%dma_start3A_55, %dma_start3A_56] : memref<100000x8xf32, #tpu.memory_space<hbm>> -> memref<100000x8xf32, #tpu.memory_space<hbm>>
            tpu.enqueue_indirect_dma source(%dma_start3A_57 : memref<100000x8xf32, #tpu.memory_space<hbm>>) target(%dma_start3A_51 : memref<128x8xf32, #tpu.memory_space<vmem>>) offsets(%dma_start3A_54 : memref<128xi32, #tpu.memory_space<vmem>>) semaphore(%arg11 : memref<!tpu.dma_semaphore, #tpu.memory_space<semaphore_mem>>)
            %mul3A_58 = arith.constant 8 : i32
            %mul3A_59 = arith.muli %scan3A_32, %mul3A_58 : i32
            %add3A_60 = arith.constant 2 : i32
            %add3A_61 = arith.addi %mul3A_59, %add3A_60 : i32
            %dma_start3A_62 = arith.constant 256 : i32
            %dma_start3A_63 = arith.constant 0 : i32
            %dma_start3A_64 = tpu.memref_slice %arg8[%dma_start3A_62, %dma_start3A_63] : memref<1024x8xf32, #tpu.memory_space<vmem>> -> memref<128x8xf32, #tpu.memory_space<vmem>>
            %dma_start3A_65 = arith.constant 0 : i32
            %dma_start3A_66 = tpu.memref_slice %arg7[%add3A_61, %dma_start3A_65] : memref<32x128xi32, #tpu.memory_space<vmem>> -> memref<1x128xi32, #tpu.memory_space<vmem>>
            %dma_start3A_67 = tpu.memref_squeeze %dma_start3A_66 : memref<1x128xi32, #tpu.memory_space<vmem>> -> memref<128xi32, #tpu.memory_space<vmem>>
            %dma_start3A_68 = arith.constant 0 : i32
            %dma_start3A_69 = arith.constant 0 : i32
            %dma_start3A_70 = tpu.memref_slice %arg3[%dma_start3A_68, %dma_start3A_69] : memref<100000x8xf32, #tpu.memory_space<hbm>> -> memref<100000x8xf32, #tpu.memory_space<hbm>>
            tpu.enqueue_indirect_dma source(%dma_start3A_70 : memref<100000x8xf32, #tpu.memory_space<hbm>>) target(%dma_start3A_64 : memref<128x8xf32, #tpu.memory_space<vmem>>) offsets(%dma_start3A_67 : memref<128xi32, #tpu.memory_space<vmem>>) semaphore(%arg11 : memref<!tpu.dma_semaphore, #tpu.memory_space<semaphore_mem>>)
            %mul3A_71 = arith.constant 8 : i32
            %mul3A_72 = arith.muli %scan3A_32, %mul3A_71 : i32
            %add3A_73 = arith.constant 3 : i32
            %add3A_74 = arith.addi %mul3A_72, %add3A_73 : i32
            %dma_start3A_75 = arith.constant 384 : i32
            %dma_start3A_76 = arith.constant 0 : i32
            %dma_start3A_77 = tpu.memref_slice %arg8[%dma_start3A_75, %dma_start3A_76] : memref<1024x8xf32, #tpu.memory_space<vmem>> -> memref<128x8xf32, #tpu.memory_space<vmem>>
            %dma_start3A_78 = arith.constant 0 : i32
            %dma_start3A_79 = tpu.memref_slice %arg7[%add3A_74, %dma_start3A_78] : memref<32x128xi32, #tpu.memory_space<vmem>> -> memref<1x128xi32, #tpu.memory_space<vmem>>
            %dma_start3A_80 = tpu.memref_squeeze %dma_start3A_79 : memref<1x128xi32, #tpu.memory_space<vmem>> -> memref<128xi32, #tpu.memory_space<vmem>>
            %dma_start3A_81 = arith.constant 0 : i32
            %dma_start3A_82 = arith.constant 0 : i32
            %dma_start3A_83 = tpu.memref_slice %arg3[%dma_start3A_81, %dma_start3A_82] : memref<100000x8xf32, #tpu.memory_space<hbm>> -> memref<100000x8xf32, #tpu.memory_space<hbm>>
            tpu.enqueue_indirect_dma source(%dma_start3A_83 : memref<100000x8xf32, #tpu.memory_space<hbm>>) target(%dma_start3A_77 : memref<128x8xf32, #tpu.memory_space<vmem>>) offsets(%dma_start3A_80 : memref<128xi32, #tpu.memory_space<vmem>>) semaphore(%arg11 : memref<!tpu.dma_semaphore, #tpu.memory_space<semaphore_mem>>)
            %mul3A_84 = arith.constant 8 : i32
            %mul3A_85 = arith.muli %scan3A_32, %mul3A_84 : i32
            %add3A_86 = arith.constant 4 : i32
            %add3A_87 = arith.addi %mul3A_85, %add3A_86 : i32
            %dma_start3A_88 = arith.constant 512 : i32
            %dma_start3A_89 = arith.constant 0 : i32
            %dma_start3A_90 = tpu.memref_slice %arg8[%dma_start3A_88, %dma_start3A_89] : memref<1024x8xf32, #tpu.memory_space<vmem>> -> memref<128x8xf32, #tpu.memory_space<vmem>>
            %dma_start3A_91 = arith.constant 0 : i32
            %dma_start3A_92 = tpu.memref_slice %arg7[%add3A_87, %dma_start3A_91] : memref<32x128xi32, #tpu.memory_space<vmem>> -> memref<1x128xi32, #tpu.memory_space<vmem>>
            %dma_start3A_93 = tpu.memref_squeeze %dma_start3A_92 : memref<1x128xi32, #tpu.memory_space<vmem>> -> memref<128xi32, #tpu.memory_space<vmem>>
            %dma_start3A_94 = arith.constant 0 : i32
            %dma_start3A_95 = arith.constant 0 : i32
            %dma_start3A_96 = tpu.memref_slice %arg3[%dma_start3A_94, %dma_start3A_95] : memref<100000x8xf32, #tpu.memory_space<hbm>> -> memref<100000x8xf32, #tpu.memory_space<hbm>>
            tpu.enqueue_indirect_dma source(%dma_start3A_96 : memref<100000x8xf32, #tpu.memory_space<hbm>>) target(%dma_start3A_90 : memref<128x8xf32, #tpu.memory_space<vmem>>) offsets(%dma_start3A_93 : memref<128xi32, #tpu.memory_space<vmem>>) semaphore(%arg11 : memref<!tpu.dma_semaphore, #tpu.memory_space<semaphore_mem>>)
            %mul3A_97 = arith.constant 8 : i32
            %mul3A_98 = arith.muli %scan3A_32, %mul3A_97 : i32
            %add3A_99 = arith.constant 5 : i32
            %add3A_100 = arith.addi %mul3A_98, %add3A_99 : i32
            %dma_start3A_101 = arith.constant 640 : i32
            %dma_start3A_102 = arith.constant 0 : i32
            %dma_start3A_103 = tpu.memref_slice %arg8[%dma_start3A_101, %dma_start3A_102] : memref<1024x8xf32, #tpu.memory_space<vmem>> -> memref<128x8xf32, #tpu.memory_space<vmem>>
            %dma_start3A_104 = arith.constant 0 : i32
            %dma_start3A_105 = tpu.memref_slice %arg7[%add3A_100, %dma_start3A_104] : memref<32x128xi32, #tpu.memory_space<vmem>> -> memref<1x128xi32, #tpu.memory_space<vmem>>
            %dma_start3A_106 = tpu.memref_squeeze %dma_start3A_105 : memref<1x128xi32, #tpu.memory_space<vmem>> -> memref<128xi32, #tpu.memory_space<vmem>>
            %dma_start3A_107 = arith.constant 0 : i32
            %dma_start3A_108 = arith.constant 0 : i32
            %dma_start3A_109 = tpu.memref_slice %arg3[%dma_start3A_107, %dma_start3A_108] : memref<100000x8xf32, #tpu.memory_space<hbm>> -> memref<100000x8xf32, #tpu.memory_space<hbm>>
            tpu.enqueue_indirect_dma source(%dma_start3A_109 : memref<100000x8xf32, #tpu.memory_space<hbm>>) target(%dma_start3A_103 : memref<128x8xf32, #tpu.memory_space<vmem>>) offsets(%dma_start3A_106 : memref<128xi32, #tpu.memory_space<vmem>>) semaphore(%arg11 : memref<!tpu.dma_semaphore, #tpu.memory_space<semaphore_mem>>)
            %mul3A_110 = arith.constant 8 : i32
            %mul3A_111 = arith.muli %scan3A_32, %mul3A_110 : i32
            %add3A_112 = arith.constant 6 : i32
            %add3A_113 = arith.addi %mul3A_111, %add3A_112 : i32
            %dma_start3A_114 = arith.constant 768 : i32
            %dma_start3A_115 = arith.constant 0 : i32
            %dma_start3A_116 = tpu.memref_slice %arg8[%dma_start3A_114, %dma_start3A_115] : memref<1024x8xf32, #tpu.memory_space<vmem>> -> memref<128x8xf32, #tpu.memory_space<vmem>>
            %dma_start3A_117 = arith.constant 0 : i32
            %dma_start3A_118 = tpu.memref_slice %arg7[%add3A_113, %dma_start3A_117] : memref<32x128xi32, #tpu.memory_space<vmem>> -> memref<1x128xi32, #tpu.memory_space<vmem>>
            %dma_start3A_119 = tpu.memref_squeeze %dma_start3A_118 : memref<1x128xi32, #tpu.memory_space<vmem>> -> memref<128xi32, #tpu.memory_space<vmem>>
            %dma_start3A_120 = arith.constant 0 : i32
            %dma_start3A_121 = arith.constant 0 : i32
            %dma_start3A_122 = tpu.memref_slice %arg3[%dma_start3A_120, %dma_start3A_121] : memref<100000x8xf32, #tpu.memory_space<hbm>> -> memref<100000x8xf32, #tpu.memory_space<hbm>>
            tpu.enqueue_indirect_dma source(%dma_start3A_122 : memref<100000x8xf32, #tpu.memory_space<hbm>>) target(%dma_start3A_116 : memref<128x8xf32, #tpu.memory_space<vmem>>) offsets(%dma_start3A_119 : memref<128xi32, #tpu.memory_space<vmem>>) semaphore(%arg11 : memref<!tpu.dma_semaphore, #tpu.memory_space<semaphore_mem>>)
            %mul3A_123 = arith.constant 8 : i32
            %mul3A_124 = arith.muli %scan3A_32, %mul3A_123 : i32
            %add3A_125 = arith.constant 7 : i32
            %add3A_126 = arith.addi %mul3A_124, %add3A_125 : i32
            %dma_start3A_127 = arith.constant 896 : i32
            %dma_start3A_128 = arith.constant 0 : i32
            %dma_start3A_129 = tpu.memref_slice %arg8[%dma_start3A_127, %dma_start3A_128] : memref<1024x8xf32, #tpu.memory_space<vmem>> -> memref<128x8xf32, #tpu.memory_space<vmem>>
            %dma_start3A_130 = arith.constant 0 : i32
            %dma_start3A_131 = tpu.memref_slice %arg7[%add3A_126, %dma_start3A_130] : memref<32x128xi32, #tpu.memory_space<vmem>> -> memref<1x128xi32, #tpu.memory_space<vmem>>
            %dma_start3A_132 = tpu.memref_squeeze %dma_start3A_131 : memref<1x128xi32, #tpu.memory_space<vmem>> -> memref<128xi32, #tpu.memory_space<vmem>>
            %dma_start3A_133 = arith.constant 0 : i32
            %dma_start3A_134 = arith.constant 0 : i32
            %dma_start3A_135 = tpu.memref_slice %arg3[%dma_start3A_133, %dma_start3A_134] : memref<100000x8xf32, #tpu.memory_space<hbm>> -> memref<100000x8xf32, #tpu.memory_space<hbm>>
            tpu.enqueue_indirect_dma source(%dma_start3A_135 : memref<100000x8xf32, #tpu.memory_space<hbm>>) target(%dma_start3A_129 : memref<128x8xf32, #tpu.memory_space<vmem>>) offsets(%dma_start3A_132 : memref<128xi32, #tpu.memory_space<vmem>>) semaphore(%arg11 : memref<!tpu.dma_semaphore, #tpu.memory_space<semaphore_mem>>)
            %dma_wait3A = arith.constant 0 : i32
            %dma_wait3A_136 = arith.constant 0 : i32
            %dma_wait3A_137 = tpu.memref_slice %arg8[%dma_wait3A, %dma_wait3A_136] : memref<1024x8xf32, #tpu.memory_space<vmem>> -> memref<128x8xf32, #tpu.memory_space<vmem>>
            %dma_wait3A_138 = arith.constant 0 : i32
            %dma_wait3A_139 = tpu.memref_slice %arg7[%add3A_36, %dma_wait3A_138] : memref<32x128xi32, #tpu.memory_space<vmem>> -> memref<1x128xi32, #tpu.memory_space<vmem>>
            %dma_wait3A_140 = tpu.memref_squeeze %dma_wait3A_139 : memref<1x128xi32, #tpu.memory_space<vmem>> -> memref<128xi32, #tpu.memory_space<vmem>>
            %dma_wait3A_141 = arith.constant 0 : i32
            %dma_wait3A_142 = arith.constant 0 : i32
            %dma_wait3A_143 = tpu.memref_slice %arg3[%dma_wait3A_141, %dma_wait3A_142] : memref<100000x8xf32, #tpu.memory_space<hbm>> -> memref<100000x8xf32, #tpu.memory_space<hbm>>
            tpu.wait_indirect_dma semaphore(%arg11 : memref<!tpu.dma_semaphore, #tpu.memory_space<semaphore_mem>>) src(%dma_wait3A_143 : memref<100000x8xf32, #tpu.memory_space<hbm>>) dst(%dma_wait3A_137 : memref<128x8xf32, #tpu.memory_space<vmem>>)
            %dma_wait3A_144 = arith.constant 128 : i32
            %dma_wait3A_145 = arith.constant 0 : i32
            %dma_wait3A_146 = tpu.memref_slice %arg8[%dma_wait3A_144, %dma_wait3A_145] : memref<1024x8xf32, #tpu.memory_space<vmem>> -> memref<128x8xf32, #tpu.memory_space<vmem>>
            %dma_wait3A_147 = arith.constant 0 : i32
            %dma_wait3A_148 = tpu.memref_slice %arg7[%add3A_48, %dma_wait3A_147] : memref<32x128xi32, #tpu.memory_space<vmem>> -> memref<1x128xi32, #tpu.memory_space<vmem>>
            %dma_wait3A_149 = tpu.memref_squeeze %dma_wait3A_148 : memref<1x128xi32, #tpu.memory_space<vmem>> -> memref<128xi32, #tpu.memory_space<vmem>>
            %dma_wait3A_150 = arith.constant 0 : i32
            %dma_wait3A_151 = arith.constant 0 : i32
            %dma_wait3A_152 = tpu.memref_slice %arg3[%dma_wait3A_150, %dma_wait3A_151] : memref<100000x8xf32, #tpu.memory_space<hbm>> -> memref<100000x8xf32, #tpu.memory_space<hbm>>
            tpu.wait_indirect_dma semaphore(%arg11 : memref<!tpu.dma_semaphore, #tpu.memory_space<semaphore_mem>>) src(%dma_wait3A_152 : memref<100000x8xf32, #tpu.memory_space<hbm>>) dst(%dma_wait3A_146 : memref<128x8xf32, #tpu.memory_space<vmem>>)
            %dma_wait3A_153 = arith.constant 256 : i32
            %dma_wait3A_154 = arith.constant 0 : i32
            %dma_wait3A_155 = tpu.memref_slice %arg8[%dma_wait3A_153, %dma_wait3A_154] : memref<1024x8xf32, #tpu.memory_space<vmem>> -> memref<128x8xf32, #tpu.memory_space<vmem>>
            %dma_wait3A_156 = arith.constant 0 : i32
            %dma_wait3A_157 = tpu.memref_slice %arg7[%add3A_61, %dma_wait3A_156] : memref<32x128xi32, #tpu.memory_space<vmem>> -> memref<1x128xi32, #tpu.memory_space<vmem>>
            %dma_wait3A_158 = tpu.memref_squeeze %dma_wait3A_157 : memref<1x128xi32, #tpu.memory_space<vmem>> -> memref<128xi32, #tpu.memory_space<vmem>>
            %dma_wait3A_159 = arith.constant 0 : i32
            %dma_wait3A_160 = arith.constant 0 : i32
            %dma_wait3A_161 = tpu.memref_slice %arg3[%dma_wait3A_159, %dma_wait3A_160] : memref<100000x8xf32, #tpu.memory_space<hbm>> -> memref<100000x8xf32, #tpu.memory_space<hbm>>
            tpu.wait_indirect_dma semaphore(%arg11 : memref<!tpu.dma_semaphore, #tpu.memory_space<semaphore_mem>>) src(%dma_wait3A_161 : memref<100000x8xf32, #tpu.memory_space<hbm>>) dst(%dma_wait3A_155 : memref<128x8xf32, #tpu.memory_space<vmem>>)
            %dma_wait3A_162 = arith.constant 384 : i32
            %dma_wait3A_163 = arith.constant 0 : i32
            %dma_wait3A_164 = tpu.memref_slice %arg8[%dma_wait3A_162, %dma_wait3A_163] : memref<1024x8xf32, #tpu.memory_space<vmem>> -> memref<128x8xf32, #tpu.memory_space<vmem>>
            %dma_wait3A_165 = arith.constant 0 : i32
            %dma_wait3A_166 = tpu.memref_slice %arg7[%add3A_74, %dma_wait3A_165] : memref<32x128xi32, #tpu.memory_space<vmem>> -> memref<1x128xi32, #tpu.memory_space<vmem>>
            %dma_wait3A_167 = tpu.memref_squeeze %dma_wait3A_166 : memref<1x128xi32, #tpu.memory_space<vmem>> -> memref<128xi32, #tpu.memory_space<vmem>>
            %dma_wait3A_168 = arith.constant 0 : i32
            %dma_wait3A_169 = arith.constant 0 : i32
            %dma_wait3A_170 = tpu.memref_slice %arg3[%dma_wait3A_168, %dma_wait3A_169] : memref<100000x8xf32, #tpu.memory_space<hbm>> -> memref<100000x8xf32, #tpu.memory_space<hbm>>
            tpu.wait_indirect_dma semaphore(%arg11 : memref<!tpu.dma_semaphore, #tpu.memory_space<semaphore_mem>>) src(%dma_wait3A_170 : memref<100000x8xf32, #tpu.memory_space<hbm>>) dst(%dma_wait3A_164 : memref<128x8xf32, #tpu.memory_space<vmem>>)
            %dma_wait3A_171 = arith.constant 512 : i32
            %dma_wait3A_172 = arith.constant 0 : i32
            %dma_wait3A_173 = tpu.memref_slice %arg8[%dma_wait3A_171, %dma_wait3A_172] : memref<1024x8xf32, #tpu.memory_space<vmem>> -> memref<128x8xf32, #tpu.memory_space<vmem>>
            %dma_wait3A_174 = arith.constant 0 : i32
            %dma_wait3A_175 = tpu.memref_slice %arg7[%add3A_87, %dma_wait3A_174] : memref<32x128xi32, #tpu.memory_space<vmem>> -> memref<1x128xi32, #tpu.memory_space<vmem>>
            %dma_wait3A_176 = tpu.memref_squeeze %dma_wait3A_175 : memref<1x128xi32, #tpu.memory_space<vmem>> -> memref<128xi32, #tpu.memory_space<vmem>>
            %dma_wait3A_177 = arith.constant 0 : i32
            %dma_wait3A_178 = arith.constant 0 : i32
            %dma_wait3A_179 = tpu.memref_slice %arg3[%dma_wait3A_177, %dma_wait3A_178] : memref<100000x8xf32, #tpu.memory_space<hbm>> -> memref<100000x8xf32, #tpu.memory_space<hbm>>
            tpu.wait_indirect_dma semaphore(%arg11 : memref<!tpu.dma_semaphore, #tpu.memory_space<semaphore_mem>>) src(%dma_wait3A_179 : memref<100000x8xf32, #tpu.memory_space<hbm>>) dst(%dma_wait3A_173 : memref<128x8xf32, #tpu.memory_space<vmem>>)
            %dma_wait3A_180 = arith.constant 640 : i32
            %dma_wait3A_181 = arith.constant 0 : i32
            %dma_wait3A_182 = tpu.memref_slice %arg8[%dma_wait3A_180, %dma_wait3A_181] : memref<1024x8xf32, #tpu.memory_space<vmem>> -> memref<128x8xf32, #tpu.memory_space<vmem>>
            %dma_wait3A_183 = arith.constant 0 : i32
            %dma_wait3A_184 = tpu.memref_slice %arg7[%add3A_100, %dma_wait3A_183] : memref<32x128xi32, #tpu.memory_space<vmem>> -> memref<1x128xi32, #tpu.memory_space<vmem>>
            %dma_wait3A_185 = tpu.memref_squeeze %dma_wait3A_184 : memref<1x128xi32, #tpu.memory_space<vmem>> -> memref<128xi32, #tpu.memory_space<vmem>>
            %dma_wait3A_186 = arith.constant 0 : i32
            %dma_wait3A_187 = arith.constant 0 : i32
            %dma_wait3A_188 = tpu.memref_slice %arg3[%dma_wait3A_186, %dma_wait3A_187] : memref<100000x8xf32, #tpu.memory_space<hbm>> -> memref<100000x8xf32, #tpu.memory_space<hbm>>
            tpu.wait_indirect_dma semaphore(%arg11 : memref<!tpu.dma_semaphore, #tpu.memory_space<semaphore_mem>>) src(%dma_wait3A_188 : memref<100000x8xf32, #tpu.memory_space<hbm>>) dst(%dma_wait3A_182 : memref<128x8xf32, #tpu.memory_space<vmem>>)
            %dma_wait3A_189 = arith.constant 768 : i32
            %dma_wait3A_190 = arith.constant 0 : i32
            %dma_wait3A_191 = tpu.memref_slice %arg8[%dma_wait3A_189, %dma_wait3A_190] : memref<1024x8xf32, #tpu.memory_space<vmem>> -> memref<128x8xf32, #tpu.memory_space<vmem>>
            %dma_wait3A_192 = arith.constant 0 : i32
            %dma_wait3A_193 = tpu.memref_slice %arg7[%add3A_113, %dma_wait3A_192] : memref<32x128xi32, #tpu.memory_space<vmem>> -> memref<1x128xi32, #tpu.memory_space<vmem>>
            %dma_wait3A_194 = tpu.memref_squeeze %dma_wait3A_193 : memref<1x128xi32, #tpu.memory_space<vmem>> -> memref<128xi32, #tpu.memory_space<vmem>>
            %dma_wait3A_195 = arith.constant 0 : i32
            %dma_wait3A_196 = arith.constant 0 : i32
            %dma_wait3A_197 = tpu.memref_slice %arg3[%dma_wait3A_195, %dma_wait3A_196] : memref<100000x8xf32, #tpu.memory_space<hbm>> -> memref<100000x8xf32, #tpu.memory_space<hbm>>
            tpu.wait_indirect_dma semaphore(%arg11 : memref<!tpu.dma_semaphore, #tpu.memory_space<semaphore_mem>>) src(%dma_wait3A_197 : memref<100000x8xf32, #tpu.memory_space<hbm>>) dst(%dma_wait3A_191 : memref<128x8xf32, #tpu.memory_space<vmem>>)
            %dma_wait3A_198 = arith.constant 896 : i32
            %dma_wait3A_199 = arith.constant 0 : i32
            %dma_wait3A_200 = tpu.memref_slice %arg8[%dma_wait3A_198, %dma_wait3A_199] : memref<1024x8xf32, #tpu.memory_space<vmem>> -> memref<128x8xf32, #tpu.memory_space<vmem>>
            %dma_wait3A_201 = arith.constant 0 : i32
            %dma_wait3A_202 = tpu.memref_slice %arg7[%add3A_126, %dma_wait3A_201] : memref<32x128xi32, #tpu.memory_space<vmem>> -> memref<1x128xi32, #tpu.memory_space<vmem>>
            %dma_wait3A_203 = tpu.memref_squeeze %dma_wait3A_202 : memref<1x128xi32, #tpu.memory_space<vmem>> -> memref<128xi32, #tpu.memory_space<vmem>>
            %dma_wait3A_204 = arith.constant 0 : i32
            %dma_wait3A_205 = arith.constant 0 : i32
            %dma_wait3A_206 = tpu.memref_slice %arg3[%dma_wait3A_204, %dma_wait3A_205] : memref<100000x8xf32, #tpu.memory_space<hbm>> -> memref<100000x8xf32, #tpu.memory_space<hbm>>
            tpu.wait_indirect_dma semaphore(%arg11 : memref<!tpu.dma_semaphore, #tpu.memory_space<semaphore_mem>>) src(%dma_wait3A_206 : memref<100000x8xf32, #tpu.memory_space<hbm>>) dst(%dma_wait3A_200 : memref<128x8xf32, #tpu.memory_space<vmem>>)
            %mul3A_207 = arith.constant 1024 : i32
            %mul3A_208 = arith.muli %scan3A_32, %mul3A_207 : i32
            "tpu.region"() ({
              %run_scoped3A = tpu.sem_alloc : memref<!tpu.dma_semaphore, #tpu.memory_space<semaphore_mem>>
              %dma_start3A_209 = tpu.memref_slice %arg6[%mul3A_208, %add3A_25] : memref<4096x1536xf32, #tpu.memory_space<hbm>> -> memref<1024x8xf32, #tpu.memory_space<hbm>>
              %dma_start3A_210 = tpu.memref_slice %arg6[%mul3A_208, %add3A_25] : memref<4096x1536xf32, #tpu.memory_space<hbm>> -> memref<1024x8xf32, #tpu.memory_space<hbm>>
              tpu.enqueue_dma source(%arg8 : memref<1024x8xf32, #tpu.memory_space<vmem>>) target(%dma_start3A_210 : memref<1024x8xf32, #tpu.memory_space<hbm>>) target_semaphore(%run_scoped3A : memref<!tpu.dma_semaphore, #tpu.memory_space<semaphore_mem>>)
              %dma_wait3A_211 = tpu.memref_slice %arg6[%mul3A_208, %add3A_25] : memref<4096x1536xf32, #tpu.memory_space<hbm>> -> memref<1024x8xf32, #tpu.memory_space<hbm>>
              %dma_wait3A_212 = tpu.memref_slice %arg6[%mul3A_208, %add3A_25] : memref<4096x1536xf32, #tpu.memory_space<hbm>> -> memref<1024x8xf32, #tpu.memory_space<hbm>>
              tpu.wait_dma2 semaphore(%run_scoped3A : memref<!tpu.dma_semaphore, #tpu.memory_space<semaphore_mem>>) src(%arg8 : memref<1024x8xf32, #tpu.memory_space<vmem>>) dst(%dma_wait3A_212 : memref<1024x8xf32, #tpu.memory_space<hbm>>)
              tpu.yield
            }) : () -> ()
          }
          %scan3A_31 = arith.constant 4 : i32
        } else {
        }
      }
      %scan3A_11 = arith.constant 5 : i32
    } else {
    }
    return
  }
}

module attributes {stable_mosaic.version = 14 : i64} {
  func.func @_lin_body(%arg0: i32, %arg1: memref<8x8192xf32, #tpu.memory_space<vmem>>, %arg2: memref<16x8192xf32, #tpu.memory_space<vmem>>, %arg3: memref<32x8192xf32, #tpu.memory_space<vmem>>, %arg4: memref<512x128xf32, #tpu.memory_space<vmem>>, %arg5: memref<1024x128xf32, #tpu.memory_space<vmem>>, %arg6: memref<2048x128xf32, #tpu.memory_space<vmem>>) attributes {dimension_semantics = [#tpu.dimension_semantics<arbitrary>], iteration_bounds = array<i64: 13>, scalar_prefetch = 0 : i64, scratch_operands = 0 : i64, tpu.core_type = #tpu.core_type<tc>, window_params = [{transform_indices = @transform_0, window_bounds = array<i64: 8, 8192>}, {transform_indices = @transform_1, window_bounds = array<i64: 16, 8192>}, {transform_indices = @transform_2, window_bounds = array<i64: 32, 8192>}, {transform_indices = @transform_3, window_bounds = array<i64: 512, 128>}, {transform_indices = @transform_4, window_bounds = array<i64: 1024, 128>}, {transform_indices = @transform_5, window_bounds = array<i64: 2048, 128>}]} {
    %get3A = arith.constant 0 : index
    %get3A_0 = arith.constant 0 : index
    %get3A_1 = vector.load %arg1[%get3A, %get3A_0] : memref<8x8192xf32, #tpu.memory_space<vmem>>, vector<8x8192xf32>
    %transpose3A = tpu.transpose %get3A_1, [1, 0] : vector<8x8192xf32> -> vector<8192x8xf32>
    %reshape3A = vector.shape_cast %transpose3A : vector<8192x8xf32> to vector<512x16x8xf32>
    %slice3A = vector.extract_strided_slice %reshape3A {offsets = [0, 0, 0], sizes = [512, 1, 8], strides = [1, 1, 1]} : vector<512x16x8xf32> to vector<512x1x8xf32>
    %squeeze3A = vector.shape_cast %slice3A : vector<512x1x8xf32> to vector<512x8xf32>
    %swap3A = arith.constant 0 : index
    %swap3A_2 = arith.constant 0 : index
    %swap3A_3 = vector.load %arg4[%swap3A, %swap3A_2] : memref<512x128xf32, #tpu.memory_space<vmem>>, vector<512x8xf32>
    tpu.vector_store %arg4[%swap3A, %swap3A_2], %squeeze3A {strides = array<i32>} : memref<512x128xf32, #tpu.memory_space<vmem>>, vector<512x8xf32>,
    %slice3A_4 = vector.extract_strided_slice %reshape3A {offsets = [0, 1, 0], sizes = [512, 1, 8], strides = [1, 1, 1]} : vector<512x16x8xf32> to vector<512x1x8xf32>
    %squeeze3A_5 = vector.shape_cast %slice3A_4 : vector<512x1x8xf32> to vector<512x8xf32>
    %swap3A_6 = arith.constant 0 : index
    %swap3A_7 = arith.constant 8 : index
    %swap3A_8 = vector.load %arg4[%swap3A_6, %swap3A_7] : memref<512x128xf32, #tpu.memory_space<vmem>>, vector<512x8xf32>
    tpu.vector_store %arg4[%swap3A_6, %swap3A_7], %squeeze3A_5 {strides = array<i32>} : memref<512x128xf32, #tpu.memory_space<vmem>>, vector<512x8xf32>,
    %slice3A_9 = vector.extract_strided_slice %reshape3A {offsets = [0, 2, 0], sizes = [512, 1, 8], strides = [1, 1, 1]} : vector<512x16x8xf32> to vector<512x1x8xf32>
    %squeeze3A_10 = vector.shape_cast %slice3A_9 : vector<512x1x8xf32> to vector<512x8xf32>
    %swap3A_11 = arith.constant 0 : index
    %swap3A_12 = arith.constant 16 : index
    %swap3A_13 = vector.load %arg4[%swap3A_11, %swap3A_12] : memref<512x128xf32, #tpu.memory_space<vmem>>, vector<512x8xf32>
    tpu.vector_store %arg4[%swap3A_11, %swap3A_12], %squeeze3A_10 {strides = array<i32>} : memref<512x128xf32, #tpu.memory_space<vmem>>, vector<512x8xf32>,
    %slice3A_14 = vector.extract_strided_slice %reshape3A {offsets = [0, 3, 0], sizes = [512, 1, 8], strides = [1, 1, 1]} : vector<512x16x8xf32> to vector<512x1x8xf32>
    %squeeze3A_15 = vector.shape_cast %slice3A_14 : vector<512x1x8xf32> to vector<512x8xf32>
    %swap3A_16 = arith.constant 0 : index
    %swap3A_17 = arith.constant 24 : index
    %swap3A_18 = vector.load %arg4[%swap3A_16, %swap3A_17] : memref<512x128xf32, #tpu.memory_space<vmem>>, vector<512x8xf32>
    tpu.vector_store %arg4[%swap3A_16, %swap3A_17], %squeeze3A_15 {strides = array<i32>} : memref<512x128xf32, #tpu.memory_space<vmem>>, vector<512x8xf32>,
    %slice3A_19 = vector.extract_strided_slice %reshape3A {offsets = [0, 4, 0], sizes = [512, 1, 8], strides = [1, 1, 1]} : vector<512x16x8xf32> to vector<512x1x8xf32>
    %squeeze3A_20 = vector.shape_cast %slice3A_19 : vector<512x1x8xf32> to vector<512x8xf32>
    %swap3A_21 = arith.constant 0 : index
    %swap3A_22 = arith.constant 32 : index
    %swap3A_23 = vector.load %arg4[%swap3A_21, %swap3A_22] : memref<512x128xf32, #tpu.memory_space<vmem>>, vector<512x8xf32>
    tpu.vector_store %arg4[%swap3A_21, %swap3A_22], %squeeze3A_20 {strides = array<i32>} : memref<512x128xf32, #tpu.memory_space<vmem>>, vector<512x8xf32>,
    %slice3A_24 = vector.extract_strided_slice %reshape3A {offsets = [0, 5, 0], sizes = [512, 1, 8], strides = [1, 1, 1]} : vector<512x16x8xf32> to vector<512x1x8xf32>
    %squeeze3A_25 = vector.shape_cast %slice3A_24 : vector<512x1x8xf32> to vector<512x8xf32>
    %swap3A_26 = arith.constant 0 : index
    %swap3A_27 = arith.constant 40 : index
    %swap3A_28 = vector.load %arg4[%swap3A_26, %swap3A_27] : memref<512x128xf32, #tpu.memory_space<vmem>>, vector<512x8xf32>
    tpu.vector_store %arg4[%swap3A_26, %swap3A_27], %squeeze3A_25 {strides = array<i32>} : memref<512x128xf32, #tpu.memory_space<vmem>>, vector<512x8xf32>,
    %slice3A_29 = vector.extract_strided_slice %reshape3A {offsets = [0, 6, 0], sizes = [512, 1, 8], strides = [1, 1, 1]} : vector<512x16x8xf32> to vector<512x1x8xf32>
    %squeeze3A_30 = vector.shape_cast %slice3A_29 : vector<512x1x8xf32> to vector<512x8xf32>
    %swap3A_31 = arith.constant 0 : index
    %swap3A_32 = arith.constant 48 : index
    %swap3A_33 = vector.load %arg4[%swap3A_31, %swap3A_32] : memref<512x128xf32, #tpu.memory_space<vmem>>, vector<512x8xf32>
    tpu.vector_store %arg4[%swap3A_31, %swap3A_32], %squeeze3A_30 {strides = array<i32>} : memref<512x128xf32, #tpu.memory_space<vmem>>, vector<512x8xf32>,
    %slice3A_34 = vector.extract_strided_slice %reshape3A {offsets = [0, 7, 0], sizes = [512, 1, 8], strides = [1, 1, 1]} : vector<512x16x8xf32> to vector<512x1x8xf32>
    %squeeze3A_35 = vector.shape_cast %slice3A_34 : vector<512x1x8xf32> to vector<512x8xf32>
    %swap3A_36 = arith.constant 0 : index
    %swap3A_37 = arith.constant 56 : index
    %swap3A_38 = vector.load %arg4[%swap3A_36, %swap3A_37] : memref<512x128xf32, #tpu.memory_space<vmem>>, vector<512x8xf32>
    tpu.vector_store %arg4[%swap3A_36, %swap3A_37], %squeeze3A_35 {strides = array<i32>} : memref<512x128xf32, #tpu.memory_space<vmem>>, vector<512x8xf32>,
    %slice3A_39 = vector.extract_strided_slice %reshape3A {offsets = [0, 8, 0], sizes = [512, 1, 8], strides = [1, 1, 1]} : vector<512x16x8xf32> to vector<512x1x8xf32>
    %squeeze3A_40 = vector.shape_cast %slice3A_39 : vector<512x1x8xf32> to vector<512x8xf32>
    %swap3A_41 = arith.constant 0 : index
    %swap3A_42 = arith.constant 64 : index
    %swap3A_43 = vector.load %arg4[%swap3A_41, %swap3A_42] : memref<512x128xf32, #tpu.memory_space<vmem>>, vector<512x8xf32>
    tpu.vector_store %arg4[%swap3A_41, %swap3A_42], %squeeze3A_40 {strides = array<i32>} : memref<512x128xf32, #tpu.memory_space<vmem>>, vector<512x8xf32>,
    %slice3A_44 = vector.extract_strided_slice %reshape3A {offsets = [0, 9, 0], sizes = [512, 1, 8], strides = [1, 1, 1]} : vector<512x16x8xf32> to vector<512x1x8xf32>
    %squeeze3A_45 = vector.shape_cast %slice3A_44 : vector<512x1x8xf32> to vector<512x8xf32>
    %swap3A_46 = arith.constant 0 : index
    %swap3A_47 = arith.constant 72 : index
    %swap3A_48 = vector.load %arg4[%swap3A_46, %swap3A_47] : memref<512x128xf32, #tpu.memory_space<vmem>>, vector<512x8xf32>
    tpu.vector_store %arg4[%swap3A_46, %swap3A_47], %squeeze3A_45 {strides = array<i32>} : memref<512x128xf32, #tpu.memory_space<vmem>>, vector<512x8xf32>,
    %slice3A_49 = vector.extract_strided_slice %reshape3A {offsets = [0, 10, 0], sizes = [512, 1, 8], strides = [1, 1, 1]} : vector<512x16x8xf32> to vector<512x1x8xf32>
    %squeeze3A_50 = vector.shape_cast %slice3A_49 : vector<512x1x8xf32> to vector<512x8xf32>
    %swap3A_51 = arith.constant 0 : index
    %swap3A_52 = arith.constant 80 : index
    %swap3A_53 = vector.load %arg4[%swap3A_51, %swap3A_52] : memref<512x128xf32, #tpu.memory_space<vmem>>, vector<512x8xf32>
    tpu.vector_store %arg4[%swap3A_51, %swap3A_52], %squeeze3A_50 {strides = array<i32>} : memref<512x128xf32, #tpu.memory_space<vmem>>, vector<512x8xf32>,
    %slice3A_54 = vector.extract_strided_slice %reshape3A {offsets = [0, 11, 0], sizes = [512, 1, 8], strides = [1, 1, 1]} : vector<512x16x8xf32> to vector<512x1x8xf32>
    %squeeze3A_55 = vector.shape_cast %slice3A_54 : vector<512x1x8xf32> to vector<512x8xf32>
    %swap3A_56 = arith.constant 0 : index
    %swap3A_57 = arith.constant 88 : index
    %swap3A_58 = vector.load %arg4[%swap3A_56, %swap3A_57] : memref<512x128xf32, #tpu.memory_space<vmem>>, vector<512x8xf32>
    tpu.vector_store %arg4[%swap3A_56, %swap3A_57], %squeeze3A_55 {strides = array<i32>} : memref<512x128xf32, #tpu.memory_space<vmem>>, vector<512x8xf32>,
    %slice3A_59 = vector.extract_strided_slice %reshape3A {offsets = [0, 12, 0], sizes = [512, 1, 8], strides = [1, 1, 1]} : vector<512x16x8xf32> to vector<512x1x8xf32>
    %squeeze3A_60 = vector.shape_cast %slice3A_59 : vector<512x1x8xf32> to vector<512x8xf32>
    %swap3A_61 = arith.constant 0 : index
    %swap3A_62 = arith.constant 96 : index
    %swap3A_63 = vector.load %arg4[%swap3A_61, %swap3A_62] : memref<512x128xf32, #tpu.memory_space<vmem>>, vector<512x8xf32>
    tpu.vector_store %arg4[%swap3A_61, %swap3A_62], %squeeze3A_60 {strides = array<i32>} : memref<512x128xf32, #tpu.memory_space<vmem>>, vector<512x8xf32>,
    %slice3A_64 = vector.extract_strided_slice %reshape3A {offsets = [0, 13, 0], sizes = [512, 1, 8], strides = [1, 1, 1]} : vector<512x16x8xf32> to vector<512x1x8xf32>
    %squeeze3A_65 = vector.shape_cast %slice3A_64 : vector<512x1x8xf32> to vector<512x8xf32>
    %swap3A_66 = arith.constant 0 : index
    %swap3A_67 = arith.constant 104 : index
    %swap3A_68 = vector.load %arg4[%swap3A_66, %swap3A_67] : memref<512x128xf32, #tpu.memory_space<vmem>>, vector<512x8xf32>
    tpu.vector_store %arg4[%swap3A_66, %swap3A_67], %squeeze3A_65 {strides = array<i32>} : memref<512x128xf32, #tpu.memory_space<vmem>>, vector<512x8xf32>,
    %slice3A_69 = vector.extract_strided_slice %reshape3A {offsets = [0, 14, 0], sizes = [512, 1, 8], strides = [1, 1, 1]} : vector<512x16x8xf32> to vector<512x1x8xf32>
    %squeeze3A_70 = vector.shape_cast %slice3A_69 : vector<512x1x8xf32> to vector<512x8xf32>
    %swap3A_71 = arith.constant 0 : index
    %swap3A_72 = arith.constant 112 : index
    %swap3A_73 = vector.load %arg4[%swap3A_71, %swap3A_72] : memref<512x128xf32, #tpu.memory_space<vmem>>, vector<512x8xf32>
    tpu.vector_store %arg4[%swap3A_71, %swap3A_72], %squeeze3A_70 {strides = array<i32>} : memref<512x128xf32, #tpu.memory_space<vmem>>, vector<512x8xf32>,
    %slice3A_74 = vector.extract_strided_slice %reshape3A {offsets = [0, 15, 0], sizes = [512, 1, 8], strides = [1, 1, 1]} : vector<512x16x8xf32> to vector<512x1x8xf32>
    %squeeze3A_75 = vector.shape_cast %slice3A_74 : vector<512x1x8xf32> to vector<512x8xf32>
    %swap3A_76 = arith.constant 0 : index
    %swap3A_77 = arith.constant 120 : index
    %swap3A_78 = vector.load %arg4[%swap3A_76, %swap3A_77] : memref<512x128xf32, #tpu.memory_space<vmem>>, vector<512x8xf32>
    tpu.vector_store %arg4[%swap3A_76, %swap3A_77], %squeeze3A_75 {strides = array<i32>} : memref<512x128xf32, #tpu.memory_space<vmem>>, vector<512x8xf32>,
    %get3A_79 = arith.constant 0 : index
    %get3A_80 = arith.constant 0 : index
    %get3A_81 = vector.load %arg2[%get3A_79, %get3A_80] : memref<16x8192xf32, #tpu.memory_space<vmem>>, vector<16x8192xf32>
    %transpose3A_82 = tpu.transpose %get3A_81, [1, 0] : vector<16x8192xf32> -> vector<8192x16xf32>
    %reshape3A_83 = vector.shape_cast %transpose3A_82 : vector<8192x16xf32> to vector<1024x8x16xf32>
    %slice3A_84 = vector.extract_strided_slice %reshape3A_83 {offsets = [0, 0, 0], sizes = [1024, 1, 16], strides = [1, 1, 1]} : vector<1024x8x16xf32> to vector<1024x1x16xf32>
    %squeeze3A_85 = vector.shape_cast %slice3A_84 : vector<1024x1x16xf32> to vector<1024x16xf32>
    %swap3A_86 = arith.constant 0 : index
    %swap3A_87 = arith.constant 0 : index
    %swap3A_88 = vector.load %arg5[%swap3A_86, %swap3A_87] : memref<1024x128xf32, #tpu.memory_space<vmem>>, vector<1024x16xf32>
    tpu.vector_store %arg5[%swap3A_86, %swap3A_87], %squeeze3A_85 {strides = array<i32>} : memref<1024x128xf32, #tpu.memory_space<vmem>>, vector<1024x16xf32>,
    %slice3A_89 = vector.extract_strided_slice %reshape3A_83 {offsets = [0, 1, 0], sizes = [1024, 1, 16], strides = [1, 1, 1]} : vector<1024x8x16xf32> to vector<1024x1x16xf32>
    %squeeze3A_90 = vector.shape_cast %slice3A_89 : vector<1024x1x16xf32> to vector<1024x16xf32>
    %swap3A_91 = arith.constant 0 : index
    %swap3A_92 = arith.constant 16 : index
    %swap3A_93 = vector.load %arg5[%swap3A_91, %swap3A_92] : memref<1024x128xf32, #tpu.memory_space<vmem>>, vector<1024x16xf32>
    tpu.vector_store %arg5[%swap3A_91, %swap3A_92], %squeeze3A_90 {strides = array<i32>} : memref<1024x128xf32, #tpu.memory_space<vmem>>, vector<1024x16xf32>,
    %slice3A_94 = vector.extract_strided_slice %reshape3A_83 {offsets = [0, 2, 0], sizes = [1024, 1, 16], strides = [1, 1, 1]} : vector<1024x8x16xf32> to vector<1024x1x16xf32>
    %squeeze3A_95 = vector.shape_cast %slice3A_94 : vector<1024x1x16xf32> to vector<1024x16xf32>
    %swap3A_96 = arith.constant 0 : index
    %swap3A_97 = arith.constant 32 : index
    %swap3A_98 = vector.load %arg5[%swap3A_96, %swap3A_97] : memref<1024x128xf32, #tpu.memory_space<vmem>>, vector<1024x16xf32>
    tpu.vector_store %arg5[%swap3A_96, %swap3A_97], %squeeze3A_95 {strides = array<i32>} : memref<1024x128xf32, #tpu.memory_space<vmem>>, vector<1024x16xf32>,
    %slice3A_99 = vector.extract_strided_slice %reshape3A_83 {offsets = [0, 3, 0], sizes = [1024, 1, 16], strides = [1, 1, 1]} : vector<1024x8x16xf32> to vector<1024x1x16xf32>
    %squeeze3A_100 = vector.shape_cast %slice3A_99 : vector<1024x1x16xf32> to vector<1024x16xf32>
    %swap3A_101 = arith.constant 0 : index
    %swap3A_102 = arith.constant 48 : index
    %swap3A_103 = vector.load %arg5[%swap3A_101, %swap3A_102] : memref<1024x128xf32, #tpu.memory_space<vmem>>, vector<1024x16xf32>
    tpu.vector_store %arg5[%swap3A_101, %swap3A_102], %squeeze3A_100 {strides = array<i32>} : memref<1024x128xf32, #tpu.memory_space<vmem>>, vector<1024x16xf32>,
    %slice3A_104 = vector.extract_strided_slice %reshape3A_83 {offsets = [0, 4, 0], sizes = [1024, 1, 16], strides = [1, 1, 1]} : vector<1024x8x16xf32> to vector<1024x1x16xf32>
    %squeeze3A_105 = vector.shape_cast %slice3A_104 : vector<1024x1x16xf32> to vector<1024x16xf32>
    %swap3A_106 = arith.constant 0 : index
    %swap3A_107 = arith.constant 64 : index
    %swap3A_108 = vector.load %arg5[%swap3A_106, %swap3A_107] : memref<1024x128xf32, #tpu.memory_space<vmem>>, vector<1024x16xf32>
    tpu.vector_store %arg5[%swap3A_106, %swap3A_107], %squeeze3A_105 {strides = array<i32>} : memref<1024x128xf32, #tpu.memory_space<vmem>>, vector<1024x16xf32>,
    %slice3A_109 = vector.extract_strided_slice %reshape3A_83 {offsets = [0, 5, 0], sizes = [1024, 1, 16], strides = [1, 1, 1]} : vector<1024x8x16xf32> to vector<1024x1x16xf32>
    %squeeze3A_110 = vector.shape_cast %slice3A_109 : vector<1024x1x16xf32> to vector<1024x16xf32>
    %swap3A_111 = arith.constant 0 : index
    %swap3A_112 = arith.constant 80 : index
    %swap3A_113 = vector.load %arg5[%swap3A_111, %swap3A_112] : memref<1024x128xf32, #tpu.memory_space<vmem>>, vector<1024x16xf32>
    tpu.vector_store %arg5[%swap3A_111, %swap3A_112], %squeeze3A_110 {strides = array<i32>} : memref<1024x128xf32, #tpu.memory_space<vmem>>, vector<1024x16xf32>,
    %slice3A_114 = vector.extract_strided_slice %reshape3A_83 {offsets = [0, 6, 0], sizes = [1024, 1, 16], strides = [1, 1, 1]} : vector<1024x8x16xf32> to vector<1024x1x16xf32>
    %squeeze3A_115 = vector.shape_cast %slice3A_114 : vector<1024x1x16xf32> to vector<1024x16xf32>
    %swap3A_116 = arith.constant 0 : index
    %swap3A_117 = arith.constant 96 : index
    %swap3A_118 = vector.load %arg5[%swap3A_116, %swap3A_117] : memref<1024x128xf32, #tpu.memory_space<vmem>>, vector<1024x16xf32>
    tpu.vector_store %arg5[%swap3A_116, %swap3A_117], %squeeze3A_115 {strides = array<i32>} : memref<1024x128xf32, #tpu.memory_space<vmem>>, vector<1024x16xf32>,
    %slice3A_119 = vector.extract_strided_slice %reshape3A_83 {offsets = [0, 7, 0], sizes = [1024, 1, 16], strides = [1, 1, 1]} : vector<1024x8x16xf32> to vector<1024x1x16xf32>
    %squeeze3A_120 = vector.shape_cast %slice3A_119 : vector<1024x1x16xf32> to vector<1024x16xf32>
    %swap3A_121 = arith.constant 0 : index
    %swap3A_122 = arith.constant 112 : index
    %swap3A_123 = vector.load %arg5[%swap3A_121, %swap3A_122] : memref<1024x128xf32, #tpu.memory_space<vmem>>, vector<1024x16xf32>
    tpu.vector_store %arg5[%swap3A_121, %swap3A_122], %squeeze3A_120 {strides = array<i32>} : memref<1024x128xf32, #tpu.memory_space<vmem>>, vector<1024x16xf32>,
    %get3A_124 = arith.constant 0 : index
    %get3A_125 = arith.constant 0 : index
    %get3A_126 = vector.load %arg3[%get3A_124, %get3A_125] : memref<32x8192xf32, #tpu.memory_space<vmem>>, vector<32x8192xf32>
    %transpose3A_127 = tpu.transpose %get3A_126, [1, 0] : vector<32x8192xf32> -> vector<8192x32xf32>
    %reshape3A_128 = vector.shape_cast %transpose3A_127 : vector<8192x32xf32> to vector<2048x4x32xf32>
    %slice3A_129 = vector.extract_strided_slice %reshape3A_128 {offsets = [0, 0, 0], sizes = [2048, 1, 32], strides = [1, 1, 1]} : vector<2048x4x32xf32> to vector<2048x1x32xf32>
    %squeeze3A_130 = vector.shape_cast %slice3A_129 : vector<2048x1x32xf32> to vector<2048x32xf32>
    %swap3A_131 = arith.constant 0 : index
    %swap3A_132 = arith.constant 0 : index
    %swap3A_133 = vector.load %arg6[%swap3A_131, %swap3A_132] : memref<2048x128xf32, #tpu.memory_space<vmem>>, vector<2048x32xf32>
    tpu.vector_store %arg6[%swap3A_131, %swap3A_132], %squeeze3A_130 {strides = array<i32>} : memref<2048x128xf32, #tpu.memory_space<vmem>>, vector<2048x32xf32>,
    %slice3A_134 = vector.extract_strided_slice %reshape3A_128 {offsets = [0, 1, 0], sizes = [2048, 1, 32], strides = [1, 1, 1]} : vector<2048x4x32xf32> to vector<2048x1x32xf32>
    %squeeze3A_135 = vector.shape_cast %slice3A_134 : vector<2048x1x32xf32> to vector<2048x32xf32>
    %swap3A_136 = arith.constant 0 : index
    %swap3A_137 = arith.constant 32 : index
    %swap3A_138 = vector.load %arg6[%swap3A_136, %swap3A_137] : memref<2048x128xf32, #tpu.memory_space<vmem>>, vector<2048x32xf32>
    tpu.vector_store %arg6[%swap3A_136, %swap3A_137], %squeeze3A_135 {strides = array<i32>} : memref<2048x128xf32, #tpu.memory_space<vmem>>, vector<2048x32xf32>,
    %slice3A_139 = vector.extract_strided_slice %reshape3A_128 {offsets = [0, 2, 0], sizes = [2048, 1, 32], strides = [1, 1, 1]} : vector<2048x4x32xf32> to vector<2048x1x32xf32>
    %squeeze3A_140 = vector.shape_cast %slice3A_139 : vector<2048x1x32xf32> to vector<2048x32xf32>
    %swap3A_141 = arith.constant 0 : index
    %swap3A_142 = arith.constant 64 : index
    %swap3A_143 = vector.load %arg6[%swap3A_141, %swap3A_142] : memref<2048x128xf32, #tpu.memory_space<vmem>>, vector<2048x32xf32>
    tpu.vector_store %arg6[%swap3A_141, %swap3A_142], %squeeze3A_140 {strides = array<i32>} : memref<2048x128xf32, #tpu.memory_space<vmem>>, vector<2048x32xf32>,
    %slice3A_144 = vector.extract_strided_slice %reshape3A_128 {offsets = [0, 3, 0], sizes = [2048, 1, 32], strides = [1, 1, 1]} : vector<2048x4x32xf32> to vector<2048x1x32xf32>
    %squeeze3A_145 = vector.shape_cast %slice3A_144 : vector<2048x1x32xf32> to vector<2048x32xf32>
    %swap3A_146 = arith.constant 0 : index
    %swap3A_147 = arith.constant 96 : index
    %swap3A_148 = vector.load %arg6[%swap3A_146, %swap3A_147] : memref<2048x128xf32, #tpu.memory_space<vmem>>, vector<2048x32xf32>
    tpu.vector_store %arg6[%swap3A_146, %swap3A_147], %squeeze3A_145 {strides = array<i32>} : memref<2048x128xf32, #tpu.memory_space<vmem>>, vector<2048x32xf32>,
    return
  }
  func.func @transform_0(%arg0: i32) -> (i32, i32) {
    %c0_i32 = arith.constant 0 : i32
    %c0_i32_0 = arith.constant 0 : i32
    return %c0_i32, %arg0 : i32, i32
  }
  func.func @transform_1(%arg0: i32) -> (i32, i32) {
    %c0_i32 = arith.constant 0 : i32
    %c0_i32_0 = arith.constant 0 : i32
    return %c0_i32, %arg0 : i32, i32
  }
  func.func @transform_2(%arg0: i32) -> (i32, i32) {
    %c0_i32 = arith.constant 0 : i32
    %c0_i32_0 = arith.constant 0 : i32
    return %c0_i32, %arg0 : i32, i32
  }
  func.func @transform_3(%arg0: i32) -> (i32, i32) {
    %c0_i32 = arith.constant 0 : i32
    %c0_i32_0 = arith.constant 0 : i32
    return %arg0, %c0_i32 : i32, i32
  }
  func.func @transform_4(%arg0: i32) -> (i32, i32) {
    %c0_i32 = arith.constant 0 : i32
    %c0_i32_0 = arith.constant 0 : i32
    return %arg0, %c0_i32 : i32, i32
  }
  func.func @transform_5(%arg0: i32) -> (i32, i32) {
    %c0_i32 = arith.constant 0 : i32
    %c0_i32_0 = arith.constant 0 : i32
    return %arg0, %c0_i32 : i32, i32
  }
}

module attributes {stable_mosaic.version = 14 : i64} {
  func.func @_stats_body(%arg0: i32, %arg1: memref<1x1536xf32, #tpu.memory_space<vmem>>, %arg2: memref<3072x128xf32, #tpu.memory_space<vmem>>, %arg3: memref<8x1536xf32, #tpu.memory_space<vmem>>) attributes {dimension_semantics = [#tpu.dimension_semantics<arbitrary>], iteration_bounds = array<i64: 16>, scalar_prefetch = 0 : i64, scratch_operands = 0 : i64, tpu.core_type = #tpu.core_type<tc>, window_params = [{pipeline_mode = #tpu.pipeline_mode<synchronous>, transform_indices = @transform_0, window_bounds = array<i64: 1, 1536>}, {transform_indices = @transform_1, window_bounds = array<i64: 3072, 128>}, {pipeline_mode = #tpu.pipeline_mode<synchronous>, transform_indices = @transform_2, window_bounds = array<i64: 8, 1536>}]} {
    %eq3A = arith.constant 0 : i32
    %eq3A_0 = arith.cmpi eq, %arg0, %eq3A : i32
    %convert_element_type3A = arith.extui %eq3A_0 : i1 to i32
    %cond3A = arith.constant 0 : i32
    %cond3A_1 = arith.cmpi ne, %convert_element_type3A, %cond3A : i32
    scf.if %cond3A_1 {
      %broadcast_in_dim3A_28 = arith.constant 0.000000e+00 : f32
      %broadcast_in_dim3A_29 = vector.broadcast %broadcast_in_dim3A_28 : f32 to vector<8x1536xf32>
      %swap3A_30 = arith.constant 0 : index
      %swap3A_31 = arith.constant 0 : index
      %swap3A_32 = vector.load %arg3[%swap3A_30, %swap3A_31] : memref<8x1536xf32, #tpu.memory_space<vmem>>, vector<8x1536xf32>
      tpu.vector_store %arg3[%swap3A_30, %swap3A_31], %broadcast_in_dim3A_29 {strides = array<i32>} : memref<8x1536xf32, #tpu.memory_space<vmem>>, vector<8x1536xf32>,
    } else {
    }
    %get3A = arith.constant 0 : index
    %get3A_2 = arith.constant 0 : index
    %get3A_3 = vector.load %arg2[%get3A, %get3A_2] : memref<3072x128xf32, #tpu.memory_space<vmem>>, vector<3072x128xf32>
    %reshape3A = vector.shape_cast %get3A_3 : vector<3072x128xf32> to vector<256x1536xf32>
    %get3A_4 = arith.constant 0 : index
    %get3A_5 = arith.constant 0 : index
    %get3A_6 = vector.load %arg1[%get3A_4, %get3A_5] : memref<1x1536xf32, #tpu.memory_space<vmem>>, vector<1x1536xf32>
    %ne3A = arith.constant 0.000000e+00 : f32
    %ne3A_7 = vector.broadcast %ne3A : f32 to vector<1x1536xf32>
    %ne3A_8 = arith.cmpf one, %get3A_6, %ne3A_7 : vector<1x1536xf32>
    %jit3A = arith.constant 0.000000e+00 : f32
    %broadcast_in_dim3A = vector.shape_cast %ne3A_8 : vector<1x1536xi1> to vector<1x1536xi1>
    %broadcast_in_dim3A_9 = vector.broadcast %broadcast_in_dim3A : vector<1x1536xi1> to vector<256x1536xi1>
    %broadcast_in_dim3A_10 = vector.broadcast %jit3A : f32 to vector<256x1536xf32>
    %select_n3A = arith.select %broadcast_in_dim3A_9, %reshape3A, %broadcast_in_dim3A_10 : vector<256x1536xi1>, vector<256x1536xf32>
    %get3A_11 = arith.constant 0 : index
    %get3A_12 = arith.constant 0 : index
    %get3A_13 = vector.load %arg3[%get3A_11, %get3A_12] : memref<8x1536xf32, #tpu.memory_space<vmem>>, vector<1x1536xf32>
    %reduce_sum3A = arith.constant dense<0.000000e+00> : vector<1536xf32>
    %reduce_sum3A_14 = vector.multi_reduction <add>, %select_n3A, %reduce_sum3A [0] : vector<256x1536xf32> to vector<1536xf32>
    %broadcast_in_dim3A_15 = vector.shape_cast %reduce_sum3A_14 : vector<1536xf32> to vector<1x1536xf32>
    %add3A = arith.addf %get3A_13, %broadcast_in_dim3A_15 : vector<1x1536xf32>
    %swap3A = arith.constant 0 : index
    %swap3A_16 = arith.constant 0 : index
    %swap3A_17 = vector.load %arg3[%swap3A, %swap3A_16] : memref<8x1536xf32, #tpu.memory_space<vmem>>, vector<1x1536xf32>
    tpu.vector_store %arg3[%swap3A, %swap3A_16], %add3A {strides = array<i32>} : memref<8x1536xf32, #tpu.memory_space<vmem>>, vector<1x1536xf32>,
    %get3A_18 = arith.constant 1 : index
    %get3A_19 = arith.constant 0 : index
    %get3A_20 = vector.load %arg3[%get3A_18, %get3A_19] : memref<8x1536xf32, #tpu.memory_space<vmem>>, vector<1x1536xf32>
    %mul3A = arith.mulf %select_n3A, %select_n3A : vector<256x1536xf32>
    %reduce_sum3A_21 = arith.constant dense<0.000000e+00> : vector<1536xf32>
    %reduce_sum3A_22 = vector.multi_reduction <add>, %mul3A, %reduce_sum3A_21 [0] : vector<256x1536xf32> to vector<1536xf32>
    %broadcast_in_dim3A_23 = vector.shape_cast %reduce_sum3A_22 : vector<1536xf32> to vector<1x1536xf32>
    %add3A_24 = arith.addf %get3A_20, %broadcast_in_dim3A_23 : vector<1x1536xf32>
    %swap3A_25 = arith.constant 1 : index
    %swap3A_26 = arith.constant 0 : index
    %swap3A_27 = vector.load %arg3[%swap3A_25, %swap3A_26] : memref<8x1536xf32, #tpu.memory_space<vmem>>, vector<1x1536xf32>
    tpu.vector_store %arg3[%swap3A_25, %swap3A_26], %add3A_24 {strides = array<i32>} : memref<8x1536xf32, #tpu.memory_space<vmem>>, vector<1x1536xf32>,
    return
  }
  func.func @transform_0(%arg0: i32) -> (i32, i32) {
    %c0_i32 = arith.constant 0 : i32
    %c0_i32_0 = arith.constant 0 : i32
    %c0_i32_1 = arith.constant 0 : i32
    return %c0_i32, %c0_i32_0 : i32, i32
  }
  func.func @transform_1(%arg0: i32) -> (i32, i32) {
    %c0_i32 = arith.constant 0 : i32
    %c0_i32_0 = arith.constant 0 : i32
    return %arg0, %c0_i32 : i32, i32
  }
  func.func @transform_2(%arg0: i32) -> (i32, i32) {
    %c0_i32 = arith.constant 0 : i32
    %c0_i32_0 = arith.constant 0 : i32
    %c0_i32_1 = arith.constant 0 : i32
    return %c0_i32, %c0_i32_0 : i32, i32
  }
}

module attributes {stable_mosaic.version = 14 : i64} {
  func.func @_affine_body(%arg0: i32, %arg1: memref<8x1536xf32, #tpu.memory_space<vmem>>, %arg2: memref<1536x96xf32, #tpu.memory_space<vmem>>, %arg3: memref<1x96xf32, #tpu.memory_space<vmem>>, %arg4: memref<1x96xf32, #tpu.memory_space<vmem>>, %arg5: memref<3072x128xf32, #tpu.memory_space<vmem>>, %arg6: memref<256x1456xf32, #tpu.memory_space<vmem>>, %arg7: memref<8x1536xf32, #tpu.memory_space<vmem>>) attributes {dimension_semantics = [#tpu.dimension_semantics<arbitrary>], iteration_bounds = array<i64: 16>, scalar_prefetch = 0 : i64, scratch_operands = 1 : i64, tpu.core_type = #tpu.core_type<tc>, window_params = [{pipeline_mode = #tpu.pipeline_mode<synchronous>, transform_indices = @transform_0, window_bounds = array<i64: 8, 1536>}, {pipeline_mode = #tpu.pipeline_mode<synchronous>, transform_indices = @transform_1, window_bounds = array<i64: 1536, 96>}, {pipeline_mode = #tpu.pipeline_mode<synchronous>, transform_indices = @transform_2, window_bounds = array<i64: 1, 96>}, {pipeline_mode = #tpu.pipeline_mode<synchronous>, transform_indices = @transform_3, window_bounds = array<i64: 1, 96>}, {transform_indices = @transform_4, window_bounds = array<i64: 3072, 128>}, {transform_indices = @transform_5, window_bounds = array<i64: 256, 1456>}]} {
    %eq3A = arith.constant 0 : i32
    %eq3A_0 = arith.cmpi eq, %arg0, %eq3A : i32
    %convert_element_type3A = arith.extui %eq3A_0 : i1 to i32
    %cond3A = arith.constant 0 : i32
    %cond3A_1 = arith.cmpi ne, %convert_element_type3A, %cond3A : i32
    scf.if %cond3A_1 {
      %get3A_14 = arith.constant 0 : index
      %get3A_15 = arith.constant 0 : index
      %get3A_16 = vector.load %arg2[%get3A_14, %get3A_15] : memref<1536x96xf32, #tpu.memory_space<vmem>>, vector<1536x96xf32>
      %get3A_17 = arith.constant 0 : index
      %get3A_18 = arith.constant 0 : index
      %get3A_19 = vector.load %arg1[%get3A_17, %get3A_18] : memref<8x1536xf32, #tpu.memory_space<vmem>>, vector<1x1536xf32>
      %dot_general3A = arith.constant dense<0.000000e+00> : vector<1x96xf32>
      %dot_general3A_20 = tpu.matmul %get3A_19, %get3A_16, %dot_general3A {dimension_numbers = #tpu.dot_dimension_numbers<[1], [0], [0], [1], [0, 0, 1, 1], [], []>, precision = #tpu.contract_precision<fp32>, transpose_lhs_hint = false} : vector<1x1536xf32>, vector<1536x96xf32>, vector<1x96xf32> -> vector<1x96xf32>
      %get3A_21 = arith.constant 1 : index
      %get3A_22 = arith.constant 0 : index
      %get3A_23 = vector.load %arg1[%get3A_21, %get3A_22] : memref<8x1536xf32, #tpu.memory_space<vmem>>, vector<1x1536xf32>
      %dot_general3A_24 = arith.constant dense<0.000000e+00> : vector<1x96xf32>
      %dot_general3A_25 = tpu.matmul %get3A_23, %get3A_16, %dot_general3A_24 {dimension_numbers = #tpu.dot_dimension_numbers<[1], [0], [0], [1], [0, 0, 1, 1], [], []>, precision = #tpu.contract_precision<fp32>, transpose_lhs_hint = false} : vector<1x1536xf32>, vector<1536x96xf32>, vector<1x96xf32> -> vector<1x96xf32>
      %get3A_26 = arith.constant 0 : index
      %get3A_27 = arith.constant 0 : index
      %get3A_28 = vector.load %arg4[%get3A_26, %get3A_27] : memref<1x96xf32, #tpu.memory_space<vmem>>, vector<1x96xf32>
      %div3A = arith.divf %dot_general3A_20, %get3A_28 : vector<1x96xf32>
      %div3A_29 = arith.divf %dot_general3A_25, %get3A_28 : vector<1x96xf32>
      %mul3A_30 = arith.mulf %div3A, %div3A : vector<1x96xf32>
      %sub3A = arith.subf %div3A_29, %mul3A_30 : vector<1x96xf32>
      %get3A_31 = arith.constant 0 : index
      %get3A_32 = arith.constant 0 : index
      %get3A_33 = vector.load %arg3[%get3A_31, %get3A_32] : memref<1x96xf32, #tpu.memory_space<vmem>>, vector<1x96xf32>
      %add3A_34 = arith.constant 9.99999974E-6 : f32
      %add3A_35 = vector.broadcast %add3A_34 : f32 to vector<1x96xf32>
      %add3A_36 = arith.addf %sub3A, %add3A_35 : vector<1x96xf32>
      %rsqrt3A = math.rsqrt %add3A_36 : vector<1x96xf32>
      %mul3A_37 = arith.mulf %get3A_33, %rsqrt3A : vector<1x96xf32>
      %neg3A = arith.constant 0.000000e+00 : f32
      %neg3A_38 = vector.broadcast %neg3A : f32 to vector<1x96xf32>
      %neg3A_39 = arith.subf %neg3A_38, %div3A : vector<1x96xf32>
      %mul3A_40 = arith.mulf %neg3A_39, %mul3A_37 : vector<1x96xf32>
      %dot_general3A_41 = arith.constant dense<0.000000e+00> : vector<1x1536xf32>
      %dot_general3A_42 = tpu.matmul %mul3A_37, %get3A_16, %dot_general3A_41 {dimension_numbers = #tpu.dot_dimension_numbers<[1], [1], [0], [0], [0, 0, 1, 0], [], []>, precision = #tpu.contract_precision<fp32>, transpose_lhs_hint = false} : vector<1x96xf32>, vector<1536x96xf32>, vector<1x1536xf32> -> vector<1x1536xf32>
      %swap3A_43 = arith.constant 0 : index
      %swap3A_44 = arith.constant 0 : index
      %swap3A_45 = vector.load %arg7[%swap3A_43, %swap3A_44] : memref<8x1536xf32, #tpu.memory_space<vmem>>, vector<1x1536xf32>
      tpu.vector_store %arg7[%swap3A_43, %swap3A_44], %dot_general3A_42 {strides = array<i32>} : memref<8x1536xf32, #tpu.memory_space<vmem>>, vector<1x1536xf32>,
      %dot_general3A_46 = arith.constant dense<0.000000e+00> : vector<1x1536xf32>
      %dot_general3A_47 = tpu.matmul %mul3A_40, %get3A_16, %dot_general3A_46 {dimension_numbers = #tpu.dot_dimension_numbers<[1], [1], [0], [0], [0, 0, 1, 0], [], []>, precision = #tpu.contract_precision<fp32>, transpose_lhs_hint = false} : vector<1x96xf32>, vector<1536x96xf32>, vector<1x1536xf32> -> vector<1x1536xf32>
      %swap3A_48 = arith.constant 1 : index
      %swap3A_49 = arith.constant 0 : index
      %swap3A_50 = vector.load %arg7[%swap3A_48, %swap3A_49] : memref<8x1536xf32, #tpu.memory_space<vmem>>, vector<1x1536xf32>
      tpu.vector_store %arg7[%swap3A_48, %swap3A_49], %dot_general3A_47 {strides = array<i32>} : memref<8x1536xf32, #tpu.memory_space<vmem>>, vector<1x1536xf32>,
    } else {
    }
    %get3A = arith.constant 0 : index
    %get3A_2 = arith.constant 0 : index
    %get3A_3 = vector.load %arg5[%get3A, %get3A_2] : memref<3072x128xf32, #tpu.memory_space<vmem>>, vector<3072x128xf32>
    %reshape3A = vector.shape_cast %get3A_3 : vector<3072x128xf32> to vector<256x1536xf32>
    %get3A_4 = arith.constant 0 : index
    %get3A_5 = arith.constant 0 : index
    %get3A_6 = vector.load %arg7[%get3A_4, %get3A_5] : memref<8x1536xf32, #tpu.memory_space<vmem>>, vector<1x1536xf32>
    %mul3A = vector.broadcast %get3A_6 : vector<1x1536xf32> to vector<256x1536xf32>
    %mul3A_7 = arith.mulf %reshape3A, %mul3A : vector<256x1536xf32>
    %get3A_8 = arith.constant 1 : index
    %get3A_9 = arith.constant 0 : index
    %get3A_10 = vector.load %arg7[%get3A_8, %get3A_9] : memref<8x1536xf32, #tpu.memory_space<vmem>>, vector<1x1536xf32>
    %add3A = vector.broadcast %get3A_10 : vector<1x1536xf32> to vector<256x1536xf32>
    %add3A_11 = arith.addf %mul3A_7, %add3A : vector<256x1536xf32>
    %slice3A = vector.extract_strided_slice %add3A_11 {offsets = [0, 0], sizes = [256, 1456], strides = [1, 1]} : vector<256x1536xf32> to vector<256x1456xf32>
    %swap3A = arith.constant 0 : index
    %swap3A_12 = arith.constant 0 : index
    %swap3A_13 = vector.load %arg6[%swap3A, %swap3A_12] : memref<256x1456xf32, #tpu.memory_space<vmem>>, vector<256x1456xf32>
    tpu.vector_store %arg6[%swap3A, %swap3A_12], %slice3A {strides = array<i32>} : memref<256x1456xf32, #tpu.memory_space<vmem>>, vector<256x1456xf32>,
    return
  }
  func.func @transform_0(%arg0: i32) -> (i32, i32) {
    %c0_i32 = arith.constant 0 : i32
    %c0_i32_0 = arith.constant 0 : i32
    %c0_i32_1 = arith.constant 0 : i32
    return %c0_i32, %c0_i32_0 : i32, i32
  }
  func.func @transform_1(%arg0: i32) -> (i32, i32) {
    %c0_i32 = arith.constant 0 : i32
    %c0_i32_0 = arith.constant 0 : i32
    %c0_i32_1 = arith.constant 0 : i32
    return %c0_i32, %c0_i32_0 : i32, i32
  }
  func.func @transform_2(%arg0: i32) -> (i32, i32) {
    %c0_i32 = arith.constant 0 : i32
    %c0_i32_0 = arith.constant 0 : i32
    %c0_i32_1 = arith.constant 0 : i32
    return %c0_i32, %c0_i32_0 : i32, i32
  }
  func.func @transform_3(%arg0: i32) -> (i32, i32) {
    %c0_i32 = arith.constant 0 : i32
    %c0_i32_0 = arith.constant 0 : i32
    %c0_i32_1 = arith.constant 0 : i32
    return %c0_i32, %c0_i32_0 : i32, i32
  }
  func.func @transform_4(%arg0: i32) -> (i32, i32) {
    %c0_i32 = arith.constant 0 : i32
    %c0_i32_0 = arith.constant 0 : i32
    return %arg0, %c0_i32 : i32, i32
  }
  func.func @transform_5(%arg0: i32) -> (i32, i32) {
    %c0_i32 = arith.constant 0 : i32
    %c0_i32_0 = arith.constant 0 : i32
    return %arg0, %c0_i32 : i32, i32
  }
}

</mosaic_0001>

<sc_bundles>
// kernel: kernel.6.cloned.1.call-start
scs
__scs_entry_jumppad:
0x0: {  	(pc) =	sbr.rel $0x88, $3  }
0x1: {  	(tag) =	ssettag $0x0;
	lr =	simm.s32 $0x1  }
0x2: {  	[smem:$0x3F99] =	sst lr;
	_ =	strace $0xD0000000  }
0x3: {  	_ = 	snop  }
0x4: {  	_ = 	snop  }
0x5: {  	_ = 	snop  }
0x6: {  	_ = 	snop  }
0x7: {  	_ = 	snop  }
__scs_overlays_trampoline_lowered:
0x8: {  	[smem:$0x3FA8] =	sst s0  }
0x9: {  	[smem:$0x3FA9] =	sst s1  }
0xa: {  	[smem:$0x3FAA] =	sst s2  }
0xb: {  	[smem:$0x3FAB] =	sst s3  }
0xc: {  	[smem:$0x3FAC] =	sst s4  }
0xd: {  	[smem:$0x3FAD] =	sst s5  }
0xe: {  	[smem:$0x3FAE] =	sst s6  }
0xf: {  	[smem:$0x3FAF] =	sst s7  }
0x10: {  	[smem:$0x3FB0] =	sst s8  }
0x11: {  	[smem:$0x3FB1] =	sst s9;
	s0 =	simm.s32 @!p0 $0x0  }
0x12: {  	s1 =	sld [smem:$0x3F97];
	s0 =	simm.s32 @p0 $0x1  }
0x13: {  	[smem:$0x3FB2] =	sst s0;
	s0 =	simm.s32 @!p1 $0x0  }
0x14: {  	s2 =	sld [smem:$0x3F96];
	s0 =	simm.s32 @p1 $0x1  }
0x15: {  	[smem:$0x3FB3] =	sst s0;
	s0 =	simm.s32 @!p2 $0x0  }
0x16: {  	s3 =	sld [smem:$0x3FDB];
	s0 =	simm.s32 @p2 $0x1  }
0x17: {  	s4 =	simm.s32 $0x1BF5;
	[smem:$0x3FB5] =	sst s0  }
0x18: {  	s0 =	sld [smem:$0x3F98];
	_ =	swait.ge [sflag:s4], $0x0  }
0x19: {  	s7 =	sld [smem:$0x3F99]  }
0x1a: {  	s8 =	sadd.s32 $0xFFFFE003, lr  }
0x1b: {  	s9 =	sadd.s32 $0xFFFFFEF7, lr;
	s5 =	simm.s32 $0xFFFFFFFF;
	p2 =	slt.u32 s8, $0xFFFFF086  }
0x1c: {  	p1 =	slt.u32 s9, $0xF7A;
	s5 =	simm.s32 @!p2 $0x0  }
0x1d: {  	s5 =	simm.s32 @p1 $0x1;
	p0 =	seq.s32 s7, s2  }
0x1e: {  	s7 =	smul.u32 @!p0 $0xF7A, s2;
	p2 =	seq.s32 @!p0 s5, $0x0  }
0x1f: {  	s9 =	smul.u32 $0xF7A, s1;
	s8 =	simm.s32 @!p0 $0x1BF5;
	p2 =	por !p2, p0  }
0x20: {  	[sflag:s8] =	ssyncset.s32 @!p0 $0xFFFFF086;
	s6 =	sadd.s32 @!p0 s3, s7;
	s7 =	simm.s32 @!p0 $0x108  }
0x21: {  	s3 =	sadd.s32 s3, s9;
	s6 =	sadd.s32 @!p0 $0x88, s6;
	s7 =	simm.s32 @p2 $0x1082  }
0x22: {  	[simem:s7], [sflag:s8] =	dma.local @!p0 [hbm:s6], $0xF7A  }
0x23: {  	s9 =	sor.u32 $0xD0000000, s2;
	s6 =	simm.s32 $0x108;
	_ =	swait.ge @!p0 [sflag:s8], $0x0  }
0x24: {  	s3 =	sadd.s32 $0x88, s3;
	s6 =	simm.s32 @!p1 $0x1082;
	[sflag:s4] =	ssyncset.s32 $0xFFFFF086  }
0x25: {  	[simem:s6], [sflag:s4] =	dma.local [hbm:s3], $0xF7A  }
0x26: {  	[smem:$0x3F99] =	sst s1;
	(tag) =	ssettag s2;
	_ =	strace s9  }
0x27: {  	s1 =	sld [smem:$0x3FA9]  }
0x28: {  	s2 =	sld [smem:$0x3FAA]  }
0x29: {  	s4 =	sld [smem:$0x3FAC]  }
0x2a: {  	p0 =	seq.s32 s5, $0x0;
	s5 =	sld [smem:$0x3FAD]  }
0x2b: {  	s6 =	sld [smem:$0x3FAE]  }
0x2c: {  	s7 =	sld [smem:$0x3FAF]  }
0x2d: {  	s3 =	simm.s32 $0x108;
	s8 =	sld [smem:$0x3FB0]  }
0x2e: {  	s3 =	simm.s32 @!p0 $0x1082;
	s9 =	sld [smem:$0x3FB1]  }
0x2f: {  	lr =	sadd.s32 s0, s3;
	s0 =	sld [smem:$0x3FA8]  }
0x30: {  	s3 =	sld [smem:$0x3FAB]  }
0x31: {  	[smem:$0x3FB4] =	sst s10  }
0x32: {  	s10 =	sld [smem:$0x3FB2];
	_ =	sdelay $0x3  }
0x33: {  	p0 =	seq.s32 s10, $0x1;
	s10 =	sld [smem:$0x3FB4];
	_ =	sdelay $0x3  }
0x34: {  	[smem:$0x3FB4] =	sst s10  }
0x35: {  	s10 =	sld [smem:$0x3FB3];
	_ =	sdelay $0x3  }
0x36: {  	p1 =	seq.s32 s10, $0x1;
	s10 =	sld [smem:$0x3FB4];
	_ =	sdelay $0x3  }
0x37: {  	[smem:$0x3FB4] =	sst s10  }
0x38: {  	s10 =	sld [smem:$0x3FB5]  }
0x39: {  	_ = 	snop;
	(pc) =	sbr.ind lr, $3  }
0x3a: {  	_ = 	snop  }
0x3b: {  	_ = 	snop  }
0x3c: {  	p2 =	seq.s32 s10, $0x1;
	s10 =	sld [smem:$0x3FB4]  }
0x3d: {  	_ =	shalt  }
0x3e: {  	_ =	shalt  }
0x3f: {  	_ =	shalt  }
0x40: {  	_ =	shalt  }
0x41: {  	_ =	shalt  }
0x42: {  	_ =	shalt  }
0x43: {  	_ =	shalt  }
0x44: {  	_ =	shalt  }
0x45: {  	_ =	shalt  }
0x46: {  	_ =	shalt  }
0x47: {  	_ =	shalt  }
0x48: {  	_ =	shalt  }
0x49: {  	_ =	shalt  }
0x4a: {  	_ =	shalt  }
0x4b: {  	_ =	shalt  }
0x4c: {  	_ =	shalt  }
0x4d: {  	_ =	shalt  }
0x4e: {  	_ =	shalt  }
0x4f: {  	_ =	shalt  }
0x50: {  	_ =	shalt  }
0x51: {  	_ =	shalt  }
0x52: {  	_ =	shalt  }
0x53: {  	_ =	shalt  }
0x54: {  	_ =	shalt  }
0x55: {  	_ =	shalt  }
0x56: {  	_ =	shalt  }
0x57: {  	_ =	shalt  }
0x58: {  	_ =	shalt  }
0x59: {  	_ =	shalt  }
0x5a: {  	_ =	shalt  }
0x5b: {  	_ =	shalt  }
0x5c: {  	_ =	shalt  }
0x5d: {  	_ =	shalt  }
0x5e: {  	_ =	shalt  }
0x5f: {  	_ =	shalt  }
0x60: {  	_ =	shalt  }
0x61: {  	_ =	shalt  }
0x62: {  	_ =	shalt  }
0x63: {  	_ =	shalt  }
0x64: {  	_ =	shalt  }
0x65: {  	_ =	shalt  }
0x66: {  	_ =	shalt  }
0x67: {  	_ =	shalt  }
0x68: {  	_ =	shalt  }
0x69: {  	_ =	shalt  }
0x6a: {  	_ =	shalt  }
0x6b: {  	_ =	shalt  }
0x6c: {  	_ =	shalt  }
0x6d: {  	_ =	shalt  }
0x6e: {  	_ =	shalt  }
0x6f: {  	_ =	shalt  }
0x70: {  	_ =	shalt  }
0x71: {  	_ =	shalt  }
0x72: {  	_ =	shalt  }
0x73: {  	_ =	shalt  }
0x74: {  	_ =	shalt  }
0x75: {  	_ =	shalt  }
0x76: {  	_ =	shalt  }
0x77: {  	_ =	shalt  }
0x78: {  	_ =	shalt  }
0x79: {  	_ =	shalt  }
0x7a: {  	_ =	shalt  }
0x7b: {  	_ =	shalt  }
0x7c: {  	_ =	shalt  }
0x7d: {  	_ =	shalt  }
0x7e: {  	_ =	shalt  }
0x7f: {  	_ =	shalt  }
0x80: {  	_ =	shalt  }
0x81: {  	_ =	shalt  }
0x82: {  	_ =	shalt  }
0x83: {  	_ =	shalt  }
0x84: {  	_ =	shalt  }
0x85: {  	_ =	shalt  }
0x86: {  	_ =	shalt  }
0x87: {  	_ =	shalt  }
.Lfunc_end0:
.L_simem_size_0:
called_computation_lowered:
.L_overlay_start_0:
0x88: {  	s2 =	sld [smem:$0x3FD9]  }
0x89: {  	s3 =	sld [smem:$0x3FFE];
	_ =	sdelay $0x1  }
0x8a: {  	s1 =	srdreg.scid  }
0x8b: {  	s0 =	sand.u32 $0x1, s1  }
0x8c: {  	s17 =	sshll.u32 s0, $0xA;
	s2 =	sadd.s32 s3, s2  }
0x8d: {  	s2 =	sadd.s32 s2, s17  }
0x8e: {  	[smem:$0x3FC0] =	sst s2  }
0x8f: {  	_ = 	snop  }
0x90: {  	s2 =	sld [smem:$0x3FD0];
	(tm) =	ssettm $0x1  }
0x91: {  	s18 =	sld [smem:$0x3FFB];
	_ =	sdelay $0x3  }
0x92: {  	_ =	strace s18  }
0x93: {  	s3 =	sld [smem:$0x3FFC];
	_ =	sdelay $0x3  }
0x94: {  	_ =	strace s3  }
0x95: {  	s3 =	sld [smem:$0x3FFD];
	_ =	sdelay $0x3  }
0x96: {  	_ =	strace s3  }
0x97: {  	_ =	strace $0x8FFFFFFF  }
0x98: {  	s19 =	sld [smem:$0x3FDB];
	_ =	sdelay $0x1  }
0x99: {  	s4 =	simm.s32 $_scs_section_size  }
0x9a: {  	s5 =	simm.s32 $_size__tile_overlayer_lowered;
	s6 =	simm.s32 $_tile_overlayer_lowered  }
0x9b: {  	s22 =	simm.s32 $0x1BFF;
	s21 =	sshll.u32 s6, $0x1;
	s3 =	sadd.s32 s4, s19  }
0x9c: {  	s7 =	simm.s32 $0x0;
	s20 =	sshll.u32 s5, $0x1;
	s5 =	sadd.s32 s21, s3  }
0x9d: {  	[timem:s7], [sflag:s22] =	dma.local [hbm:s5], s20  }
0x9e: {  	_ =	swait.ge [sflag:s22], s20  }
0x9f: {  	s4 =	ssub.s32 $0x0, s20;
	[sflag:s22] =	ssyncset.done $0x0  }
0xa0: {  	[sflag:s22] =	ssyncadd.s32 s4;
	_ =	sdelay $0x1  }
0xa1: {  	s23 =	simm.s32 $0x1B8B  }
0xa2: {  	_ =	swait.ge [sflag:s23], $0x1  }
0xa3: {  	[sflag:s23] =	ssyncset.done $0x0  }
0xa4: {  	s25 =	simm.s32 $0x1B8E;
	s24 =	sld [smem:$0x3FFE];
	[sflag:s23] =	ssyncadd.s32 $0xFFFFFFFF  }
0xa5: {  	s26 =	simm.s32 $execute0_lowered;
	[smem:$0x3FD2] =	sst s25  }
0xa6: {  	s5 =	sshll.u32 s26, $0x1;
	_ =	strace $0x80000046;
	[dreg:$0x1] =	wrdreg $0xFFFFFFFF  }
0xa7: {  	s28 =	simm.s32 $_size_execute0_lowered;
	s3 =	sadd.s32 s3, s5;
	[dreg:$0x0] =	wrdreg $0x0  }
0xa8: {  	s5 =	sshll.u32 s28, $0x1;
	[dreg:$0x2] =	wrdreg s3  }
0xa9: {  	[dreg:$0x3] =	wrdreg s5  }
0xaa: {  	[dreg:$0x4] =	wrdreg $0xC0  }
0xab: {  	_ =	task [dreg:s7], $0x5FFFF  }
0xac: {  	[dreg:$0x1] =	wrdreg $0xFFFFFFFF  }
0xad: {  	[dreg:$0x0] =	wrdreg $0x60  }
0xae: {  	[dreg:$0x2] =	wrdreg s24  }
0xaf: {  	[dreg:$0x3] =	wrdreg s2  }
0xb0: {  	[dreg:$0x4] =	wrdreg $0x9  }
0xb1: {  	_ =	task.clear_ibuf [dreg:s7], $0x5FFFF;
	_ =	strace $0x90000046  }
0xb2: {  	s29 =	simm.s32 $0x9;
	_ =	strace $0x80000048  }
0xb3: {  	_ =	swait.ge [sflag:s29], $0x1  }
0xb4: {  	[sflag:s29] =	ssyncadd.s32 $0xFFFFFFFF  }
0xb5: {  	_ =	strace $0x90000048  }
0xb6: {  	_ =	sfence  }
0xb7: {  	s30 =	sld [smem:$0x0];
	_ =	sdelay $0x2  }
0xb8: {  	s31 =	sshll.u32 s1, $0xD;
	s1 =	sshrl.u32 s1, $0x2  }
0xb9: {  	s3 =	sand.u32 $0x4000, s31;
	s1 =	sadd.s32 s1, s30  }
0xba: {  	s0 =	sor.u32 s3, s0;
	s1 =	sshll.u32 s1, $0x11  }
0xbb: {  	s0 =	sor.u32 s1, s0  }
0xbc: {  	s0 =	sadd.s32 $0x8F2B, s0  }
0xbd: {  	[sflag:s0] =	ssyncadd.remote.s32 $0x1  }
0xbe: {  	_ =	sfence.sel $0xFFFF  }
0xbf: {  	[dreg:$0x0] =	wrdreg $0xFFFFFFFF;
	(pc) =	sbr.abs _section_cstart, $3  }
0xc0: {  	[dreg:$0x1] =	wrdreg $0xFFFFFFFF  }
0xc1: {  	_ =	task.clear_ibuf [dreg:s7], $0x2FFFF;
	_ =	strace $0x9FFFFFFF  }
0xc2: {  	(tm) =	ssettm $0x7FFFFFFF  }
0xc3: {  	_ =	shalt  }
tec
execute0_lowered:
.L_overlay_start_1:
0x0: {  	(tag) =	ssettag $0x1  }
0x1: {  	s0 =	rddreg [dreg:$0x0];
	s1 =	simm.s32 $0x0;
	s3 =	srdreg.scid  }
0x2: {  	s13 =	stileid.u32;
	s7 =	simm.s32 $0xA80;
	s8 =	simm.s32 $0xE80  }
0x3: {  	s4 =	simm.s32 $0xF80;
	s29 =	simm.s32 $0x1400;
	s31 =	simm.s32 $0x1800  }
0x4: {  	[smem:$0x7FF] =	sst s1;
	s14 =	sadd.s32 $0x400, s0;
	s5 =	sadd.s32 $0x34600, s0  }
0x5: {  	s3 =	sand.u32 $0x1, s3;
	s2 =	sadd.s32 $0x3800, s0;
	s10 =	sshll.u32 s13, $0x1  }
0x6: {  	s15 =	sadd.s32 $0x4CE00, s0;
	p0 =	sgt.u32 s13, $0xC;
	s13 =	simm.s32 $0xB80  }
0x7: {  	s1 =	simm.s32 $0xF00;
	_ =	strace $0x80000047;
	[dreg:$0x11] =	wrdreg s2  }
0x8: {  	s9 =	ssub.s32 $0x2, s3;
	s6 =	sor.u32 s3, s10;
	[dreg:$0xe] =	wrdreg s14  }
0x9: {  	[dreg:$0x10] =	wrdreg s15;
	s25 =	sadd.s32 s10, s15;
	s2 =	simm.s32 $0xB00  }
0xa: {  	s10 =	simm.s32 $0xD80;
	s16 =	sshrl.u32 s9, $0x1;
	s17 =	sshll.u32 s6, $0x9  }
0xb: {  	s11 =	sshll.u32 s6, $0x2;
	[dreg:$0x12] =	wrdreg s6;
	s18 =	sshll.u32 s6, $0x1  }
0xc: {  	s6 =	simm.s32 $0xD00;
	s0 =	ssub.s32 s9, s16;
	s12 =	sadd.s32 s14, s17  }
0xd: {  	s11 =	sadd.s32 s15, s11;
	s30 =	sadd.s32 $0xFFFFCC00, s17;
	s17 =	simm.s32 $0x600  }
0xe: {  	s9 =	simm.s32 $0xC80;
	s14 =	simm.s32 $0x2800;
	[dreg:$0x3] =	wrdreg s12  }
0xf: {  	s16 =	simm.s32 $0x2C00;
	s0 =	smax.u32 s0, $0x1;
	[dreg:$0xd] =	wrdreg s30  }
0x10: {  	s12 =	sadd.s32 s15, s18;
	s19 =	sadd.s32 $0x4E, s11;
	[dreg:$0x4] =	wrdreg s0  }
0x11: {  	s20 =	sadd.s32 $0x3004E, s11;
	s21 =	sadd.s32 $0x6004E, s11;
	[dreg:$0x5] =	wrdreg s19  }
0x12: {  	s22 =	sadd.s32 $0x9004E, s11;
	s15 =	simm.s32 $0x1;
	[dreg:$0x6] =	wrdreg s20  }
0x13: {  	s18 =	simm.s32 $0xC00;
	s11 =	simm.s32 $0x0;
	[dreg:$0x7] =	wrdreg s21  }
0x14: {  	[dreg:$0x8] =	wrdreg s22;
	s23 =	sadd.s32 $0x1A, s12;
	s24 =	sadd.s32 $0x3001A, s12  }
0x15: {  	s26 =	sadd.s32 $0x6001A, s12;
	s28 =	sadd.s32 $0x9001A, s12;
	[dreg:$0x9] =	wrdreg s23  }
.Ltmp0:
0x16: {  	s0 =	sadd.s32 s3, s25;
	[dreg:$0xa] =	wrdreg s24;
	(pc) =	sbr.rel .LBB2_1-.Ltmp0, $4  }
0x17: {  	s21 =	simm.s32 $0x2;
	s22 =	simm.s32 $0x80;
	[dreg:$0xb] =	wrdreg s26  }
0x18: {  	s19 =	simm.s32 $0xA00;
	s3 =	simm.s32 $0x1C00;
	[dreg:$0xc] =	wrdreg s28  }
0x19: {  	s20 =	simm.s32 $0x2000;
	s12 =	simm.s32 $0x2400;
	[dreg:$0xf] =	wrdreg s0  }
0x1a: {  	s24 =	simm.s32 $0xE00;
	s26 =	simm.s32 $0x1000;
	s23 =	simm.s32 $0x8  }
.LBB2_6:
0x1b: {  	s11 =	rddreg [dreg:$0x13]  }
0x1c: {  	s0 =	rddreg [dreg:$0x4];
	s11 =	sadd.s32 $0x1, s11  }
0x1d: {  	p1 =	sne.s32 s11, s0  }
.Ltmp1:
0x1e: {  	_ = 	snop;
	(pc) =	sbr.rel @!p1 .LBB2_7-.Ltmp1, $1  }
0x1f: {  	_ =	sdelay $0x3  }
.LBB2_1:
.Ltmp2:
0x20: {  	(pc) =	sbr.rel @p0 .LBB2_3-.Ltmp2, $3  }
0x21: {  	_ =	sdelay $0x1  }
0x22: {  	[dreg:$0x13] =	wrdreg s11  }
0x23: {  	s28 =	rddreg [dreg:$0xd];
	s30 =	simm.s32 $0x0  }
0x24: {  	s4 =	rddreg [dreg:$0x3];
	s7 =	simm.s32 $0x0  }
0x25: {  	[tilespmem:s7], [sflag:$0x2] =	stream.linear.gather [hbm4b:s4+s7], $0x1000, $0x38;
	[tilespmem:$0xF000] =	vst v63  }
0x26: {  	_ =	swait.ge [sflag:s21], $0x1000  }
0x27: {  	[sflag:s21] =	ssyncset.done $0x0  }
0x28: {  	[sflag:s21] =	ssyncadd.s32 $0xFFFFF000  }
0x29: {  	s28 =	simm.s32 $0x7000;
	s1 =	rddreg [dreg:$0x1]  }
0x2a: {  	[tilespmem:s28], [sflag:$0x1] =	stream.indirect.gather [hbm4b:s1+s22], $0x20, s7, s22, $0xb8;
	[tilespmem:$0xF000] =	vst v63  }
0x2b: {  	s30 =	simm.s32 $0x8000  }
0x2c: {  	[tilespmem:s30], [sflag:$0x1] =	stream.indirect.gather [hbm4b:s1+s22], $0x20, s22, s22, $0xb8;
	[tilespmem:$0xF000] =	vst v63  }
0x2d: {  	s8 =	simm.s32 $0x100;
	s13 =	simm.s32 $0x9000  }
0x2e: {  	[tilespmem:s13], [sflag:$0x1] =	stream.indirect.gather [hbm4b:s1+s22], $0x20, s8, s22, $0xb8;
	[tilespmem:$0xF000] =	vst v63  }
0x2f: {  	s19 =	simm.s32 $0x180;
	s18 =	simm.s32 $0xA000  }
0x30: {  	[tilespmem:s18], [sflag:$0x1] =	stream.indirect.gather [hbm4b:s1+s22], $0x20, s19, s22, $0xb8;
	[tilespmem:$0xF000] =	vst v63  }
0x31: {  	s25 =	simm.s32 $0x200;
	s9 =	simm.s32 $0xB000  }
0x32: {  	[tilespmem:s9], [sflag:$0x1] =	stream.indirect.gather [hbm4b:s1+s22], $0x20, s25, s22, $0xb8;
	[tilespmem:$0xF000] =	vst v63  }
0x33: {  	s0 =	simm.s32 $0x280;
	s10 =	simm.s32 $0xC000  }
0x34: {  	[tilespmem:s10], [sflag:$0x1] =	stream.indirect.gather [hbm4b:s1+s22], $0x20, s0, s22, $0xb8;
	[tilespmem:$0xF000] =	vst v63  }
0x35: {  	s6 =	simm.s32 $0x300;
	s24 =	simm.s32 $0xD000  }
0x36: {  	[tilespmem:s24], [sflag:$0x1] =	stream.indirect.gather [hbm4b:s1+s22], $0x20, s6, s22, $0xb8;
	[tilespmem:$0xF000] =	vst v63  }
0x37: {  	s0 =	simm.s32 $0xE000;
	s6 =	simm.s32 $0x380  }
0x38: {  	[tilespmem:s0], [sflag:$0x1] =	stream.indirect.gather [hbm4b:s1+s22], $0x20, s6, s22, $0xb8;
	[tilespmem:$0xF000] =	vst v63  }
0x39: {  	_ =	swait.ge [sflag:s15], $0x1000  }
0x3a: {  	[sflag:s15] =	ssyncset.done $0x0  }
0x3b: {  	[sflag:s15] =	ssyncadd.s32 $0xFFFFF000  }
0x3c: {  	_ =	swait.ge [sflag:s15], $0x1000  }
0x3d: {  	[sflag:s15] =	ssyncset.done $0x0  }
0x3e: {  	[sflag:s15] =	ssyncadd.s32 $0xFFFFF000  }
0x3f: {  	_ =	swait.ge [sflag:s15], $0x1000  }
0x40: {  	[sflag:s15] =	ssyncset.done $0x0  }
0x41: {  	[sflag:s15] =	ssyncadd.s32 $0xFFFFF000  }
0x42: {  	_ =	swait.ge [sflag:s15], $0x1000  }
0x43: {  	[sflag:s15] =	ssyncset.done $0x0  }
0x44: {  	[sflag:s15] =	ssyncadd.s32 $0xFFFFF000  }
0x45: {  	_ =	swait.ge [sflag:s15], $0x1000  }
0x46: {  	[sflag:s15] =	ssyncset.done $0x0  }
0x47: {  	[sflag:s15] =	ssyncadd.s32 $0xFFFFF000  }
0x48: {  	_ =	swait.ge [sflag:s15], $0x1000  }
0x49: {  	[sflag:s15] =	ssyncset.done $0x0  }
0x4a: {  	[sflag:s15] =	ssyncadd.s32 $0xFFFFF000  }
0x4b: {  	_ =	swait.ge [sflag:s15], $0x1000  }
0x4c: {  	[sflag:s15] =	ssyncset.done $0x0  }
0x4d: {  	[sflag:s15] =	ssyncadd.s32 $0xFFFFF000  }
0x4e: {  	_ =	swait.ge [sflag:s15], $0x1000  }
0x4f: {  	[sflag:s15] =	ssyncset.done $0x0  }
0x50: {  	s2 =	simm.s32 $0x20;
	s11 =	rddreg [dreg:$0x5];
	[sflag:s15] =	ssyncadd.s32 $0xFFFFF000  }
0x51: {  	[hbm4b:s11+s2] =	stream.strided.scatter [tilespmem:s28], [sflag:$0x2], $0x8000, s17, s2, $0x38;
	[tilespmem:$0xF000] =	vst v63  }
0x52: {  	_ =	swait.ge [sflag:s21], $0x8000  }
0x53: {  	[sflag:s21] =	ssyncset.done $0x0  }
0x54: {  	s11 =	simm.s32 $0x400;
	[sflag:s21] =	ssyncadd.s32 $0xFFFF8000  }
0x55: {  	[tilespmem:s28], [sflag:$0x1] =	stream.indirect.gather [hbm4b:s1+s22], $0x20, s11, s22, $0xb8;
	[tilespmem:$0xF000] =	vst v63  }
0x56: {  	s11 =	simm.s32 $0x480  }
0x57: {  	[tilespmem:s30], [sflag:$0x1] =	stream.indirect.gather [hbm4b:s1+s22], $0x20, s11, s22, $0xb8;
	[tilespmem:$0xF000] =	vst v63  }
0x58: {  	s11 =	simm.s32 $0x500  }
0x59: {  	[tilespmem:s13], [sflag:$0x1] =	stream.indirect.gather [hbm4b:s1+s22], $0x20, s11, s22, $0xb8;
	[tilespmem:$0xF000] =	vst v63  }
0x5a: {  	s11 =	simm.s32 $0x580  }
0x5b: {  	[tilespmem:s18], [sflag:$0x1] =	stream.indirect.gather [hbm4b:s1+s22], $0x20, s11, s22, $0xb8;
	[tilespmem:$0xF000] =	vst v63  }
0x5c: {  	_ = 	snop  }
0x5d: {  	[tilespmem:s9], [sflag:$0x1] =	stream.indirect.gather [hbm4b:s1+s22], $0x20, s17, s22, $0xb8;
	[tilespmem:$0xF000] =	vst v63  }
0x5e: {  	s11 =	simm.s32 $0x680  }
0x5f: {  	[tilespmem:s10], [sflag:$0x1] =	stream.indirect.gather [hbm4b:s1+s22], $0x20, s11, s22, $0xb8;
	[tilespmem:$0xF000] =	vst v63  }
0x60: {  	s11 =	simm.s32 $0x700  }
0x61: {  	[tilespmem:s24], [sflag:$0x1] =	stream.indirect.gather [hbm4b:s1+s22], $0x20, s11, s22, $0xb8;
	[tilespmem:$0xF000] =	vst v63  }
0x62: {  	s11 =	simm.s32 $0x780  }
0x63: {  	[tilespmem:s0], [sflag:$0x1] =	stream.indirect.gather [hbm4b:s1+s22], $0x20, s11, s22, $0xb8;
	[tilespmem:$0xF000] =	vst v63  }
0x64: {  	_ =	swait.ge [sflag:s15], $0x1000  }
0x65: {  	[sflag:s15] =	ssyncset.done $0x0  }
0x66: {  	[sflag:s15] =	ssyncadd.s32 $0xFFFFF000  }
0x67: {  	_ =	swait.ge [sflag:s15], $0x1000  }
0x68: {  	[sflag:s15] =	ssyncset.done $0x0  }
0x69: {  	[sflag:s15] =	ssyncadd.s32 $0xFFFFF000  }
0x6a: {  	_ =	swait.ge [sflag:s15], $0x1000  }
0x6b: {  	[sflag:s15] =	ssyncset.done $0x0  }
0x6c: {  	[sflag:s15] =	ssyncadd.s32 $0xFFFFF000  }
0x6d: {  	_ =	swait.ge [sflag:s15], $0x1000  }
0x6e: {  	[sflag:s15] =	ssyncset.done $0x0  }
0x6f: {  	[sflag:s15] =	ssyncadd.s32 $0xFFFFF000  }
0x70: {  	_ =	swait.ge [sflag:s15], $0x1000  }
0x71: {  	[sflag:s15] =	ssyncset.done $0x0  }
0x72: {  	[sflag:s15] =	ssyncadd.s32 $0xFFFFF000  }
0x73: {  	_ =	swait.ge [sflag:s15], $0x1000  }
0x74: {  	[sflag:s15] =	ssyncset.done $0x0  }
0x75: {  	[sflag:s15] =	ssyncadd.s32 $0xFFFFF000  }
0x76: {  	_ =	swait.ge [sflag:s15], $0x1000  }
0x77: {  	[sflag:s15] =	ssyncset.done $0x0  }
0x78: {  	[sflag:s15] =	ssyncadd.s32 $0xFFFFF000  }
0x79: {  	_ =	swait.ge [sflag:s15], $0x1000  }
0x7a: {  	[sflag:s15] =	ssyncset.done $0x0  }
0x7b: {  	s2 =	simm.s32 $0x20;
	s6 =	rddreg [dreg:$0x6];
	[sflag:s15] =	ssyncadd.s32 $0xFFFFF000  }
0x7c: {  	[hbm4b:s6+s2] =	stream.strided.scatter [tilespmem:s28], [sflag:$0x2], $0x8000, s17, s2, $0x38;
	[tilespmem:$0xF000] =	vst v63  }
0x7d: {  	_ =	swait.ge [sflag:s21], $0x8000  }
0x7e: {  	[sflag:s21] =	ssyncset.done $0x0  }
0x7f: {  	s11 =	simm.s32 $0x800;
	[sflag:s21] =	ssyncadd.s32 $0xFFFF8000  }
0x80: {  	[tilespmem:s28], [sflag:$0x1] =	stream.indirect.gather [hbm4b:s1+s22], $0x20, s11, s22, $0xb8;
	[tilespmem:$0xF000] =	vst v63  }
0x81: {  	s11 =	simm.s32 $0x880  }
0x82: {  	[tilespmem:s30], [sflag:$0x1] =	stream.indirect.gather [hbm4b:s1+s22], $0x20, s11, s22, $0xb8;
	[tilespmem:$0xF000] =	vst v63  }
0x83: {  	s11 =	simm.s32 $0x900  }
0x84: {  	[tilespmem:s13], [sflag:$0x1] =	stream.indirect.gather [hbm4b:s1+s22], $0x20, s11, s22, $0xb8;
	[tilespmem:$0xF000] =	vst v63  }
0x85: {  	s11 =	simm.s32 $0x980  }
0x86: {  	[tilespmem:s18], [sflag:$0x1] =	stream.indirect.gather [hbm4b:s1+s22], $0x20, s11, s22, $0xb8;
	[tilespmem:$0xF000] =	vst v63  }
0x87: {  	s11 =	simm.s32 $0xA00  }
0x88: {  	[tilespmem:s9], [sflag:$0x1] =	stream.indirect.gather [hbm4b:s1+s22], $0x20, s11, s22, $0xb8;
	[tilespmem:$0xF000] =	vst v63  }
0x89: {  	s11 =	simm.s32 $0xA80  }
0x8a: {  	[tilespmem:s10], [sflag:$0x1] =	stream.indirect.gather [hbm4b:s1+s22], $0x20, s11, s22, $0xb8;
	[tilespmem:$0xF000] =	vst v63  }
0x8b: {  	s11 =	simm.s32 $0xB00  }
0x8c: {  	[tilespmem:s24], [sflag:$0x1] =	stream.indirect.gather [hbm4b:s1+s22], $0x20, s11, s22, $0xb8;
	[tilespmem:$0xF000] =	vst v63  }
0x8d: {  	s11 =	simm.s32 $0xB80  }
0x8e: {  	[tilespmem:s0], [sflag:$0x1] =	stream.indirect.gather [hbm4b:s1+s22], $0x20, s11, s22, $0xb8;
	[tilespmem:$0xF000] =	vst v63  }
0x8f: {  	_ =	swait.ge [sflag:s15], $0x1000  }
0x90: {  	[sflag:s15] =	ssyncset.done $0x0  }
0x91: {  	[sflag:s15] =	ssyncadd.s32 $0xFFFFF000  }
0x92: {  	_ =	swait.ge [sflag:s15], $0x1000  }
0x93: {  	[sflag:s15] =	ssyncset.done $0x0  }
0x94: {  	[sflag:s15] =	ssyncadd.s32 $0xFFFFF000  }
0x95: {  	_ =	swait.ge [sflag:s15], $0x1000  }
0x96: {  	[sflag:s15] =	ssyncset.done $0x0  }
0x97: {  	[sflag:s15] =	ssyncadd.s32 $0xFFFFF000  }
0x98: {  	_ =	swait.ge [sflag:s15], $0x1000  }
0x99: {  	[sflag:s15] =	ssyncset.done $0x0  }
0x9a: {  	[sflag:s15] =	ssyncadd.s32 $0xFFFFF000  }
0x9b: {  	_ =	swait.ge [sflag:s15], $0x1000  }
0x9c: {  	[sflag:s15] =	ssyncset.done $0x0  }
0x9d: {  	[sflag:s15] =	ssyncadd.s32 $0xFFFFF000  }
0x9e: {  	_ =	swait.ge [sflag:s15], $0x1000  }
0x9f: {  	[sflag:s15] =	ssyncset.done $0x0  }
0xa0: {  	[sflag:s15] =	ssyncadd.s32 $0xFFFFF000  }
0xa1: {  	_ =	swait.ge [sflag:s15], $0x1000  }
0xa2: {  	[sflag:s15] =	ssyncset.done $0x0  }
0xa3: {  	[sflag:s15] =	ssyncadd.s32 $0xFFFFF000  }
0xa4: {  	_ =	swait.ge [sflag:s15], $0x1000  }
0xa5: {  	[sflag:s15] =	ssyncset.done $0x0  }
0xa6: {  	s6 =	rddreg [dreg:$0x7];
	[sflag:s15] =	ssyncadd.s32 $0xFFFFF000  }
0xa7: {  	[hbm4b:s6+s2] =	stream.strided.scatter [tilespmem:s28], [sflag:$0x2], $0x8000, s17, s2, $0x38;
	[tilespmem:$0xF000] =	vst v63  }
0xa8: {  	_ =	swait.ge [sflag:s21], $0x8000  }
0xa9: {  	[sflag:s21] =	ssyncset.done $0x0  }
0xaa: {  	s11 =	simm.s32 $0xC00;
	[sflag:s21] =	ssyncadd.s32 $0xFFFF8000  }
0xab: {  	[tilespmem:s28], [sflag:$0x1] =	stream.indirect.gather [hbm4b:s1+s22], $0x20, s11, s22, $0xb8;
	[tilespmem:$0xF000] =	vst v63  }
0xac: {  	s6 =	simm.s32 $0xC80  }
0xad: {  	[tilespmem:s30], [sflag:$0x1] =	stream.indirect.gather [hbm4b:s1+s22], $0x20, s6, s22, $0xb8;
	[tilespmem:$0xF000] =	vst v63  }
0xae: {  	s30 =	simm.s32 $0xD00  }
0xaf: {  	[tilespmem:s13], [sflag:$0x1] =	stream.indirect.gather [hbm4b:s1+s22], $0x20, s30, s22, $0xb8;
	[tilespmem:$0xF000] =	vst v63  }
0xb0: {  	s13 =	simm.s32 $0xD80  }
0xb1: {  	[tilespmem:s18], [sflag:$0x1] =	stream.indirect.gather [hbm4b:s1+s22], $0x20, s13, s22, $0xb8;
	[tilespmem:$0xF000] =	vst v63  }
0xb2: {  	s18 =	simm.s32 $0xE00  }
0xb3: {  	[tilespmem:s9], [sflag:$0x1] =	stream.indirect.gather [hbm4b:s1+s22], $0x20, s18, s22, $0xb8;
	[tilespmem:$0xF000] =	vst v63  }
0xb4: {  	s30 =	simm.s32 $0xE80  }
0xb5: {  	[tilespmem:s10], [sflag:$0x1] =	stream.indirect.gather [hbm4b:s1+s22], $0x20, s30, s22, $0xb8;
	[tilespmem:$0xF000] =	vst v63  }
0xb6: {  	s11 =	simm.s32 $0xF00  }
0xb7: {  	[tilespmem:s24], [sflag:$0x1] =	stream.indirect.gather [hbm4b:s1+s22], $0x20, s11, s22, $0xb8;
	[tilespmem:$0xF000] =	vst v63  }
0xb8: {  	s13 =	simm.s32 $0xF80  }
0xb9: {  	[tilespmem:s0], [sflag:$0x1] =	stream.indirect.gather [hbm4b:s1+s22], $0x20, s13, s22, $0xb8;
	[tilespmem:$0xF000] =	vst v63  }
0xba: {  	_ =	swait.ge [sflag:s15], $0x1000  }
0xbb: {  	[sflag:s15] =	ssyncset.done $0x0  }
0xbc: {  	[sflag:s15] =	ssyncadd.s32 $0xFFFFF000  }
0xbd: {  	_ =	swait.ge [sflag:s15], $0x1000  }
0xbe: {  	[sflag:s15] =	ssyncset.done $0x0  }
0xbf: {  	[sflag:s15] =	ssyncadd.s32 $0xFFFFF000  }
0xc0: {  	_ =	swait.ge [sflag:s15], $0x1000  }
0xc1: {  	[sflag:s15] =	ssyncset.done $0x0  }
0xc2: {  	[sflag:s15] =	ssyncadd.s32 $0xFFFFF000  }
0xc3: {  	_ =	swait.ge [sflag:s15], $0x1000  }
0xc4: {  	[sflag:s15] =	ssyncset.done $0x0  }
0xc5: {  	[sflag:s15] =	ssyncadd.s32 $0xFFFFF000  }
0xc6: {  	_ =	swait.ge [sflag:s15], $0x1000  }
0xc7: {  	[sflag:s15] =	ssyncset.done $0x0  }
0xc8: {  	[sflag:s15] =	ssyncadd.s32 $0xFFFFF000  }
0xc9: {  	_ =	swait.ge [sflag:s15], $0x1000  }
0xca: {  	[sflag:s15] =	ssyncset.done $0x0  }
0xcb: {  	[sflag:s15] =	ssyncadd.s32 $0xFFFFF000  }
0xcc: {  	_ =	swait.ge [sflag:s15], $0x1000  }
0xcd: {  	[sflag:s15] =	ssyncset.done $0x0  }
0xce: {  	[sflag:s15] =	ssyncadd.s32 $0xFFFFF000  }
0xcf: {  	_ =	swait.ge [sflag:s15], $0x1000  }
0xd0: {  	[sflag:s15] =	ssyncset.done $0x0  }
0xd1: {  	s18 =	rddreg [dreg:$0x8];
	[sflag:s15] =	ssyncadd.s32 $0xFFFFF000  }
0xd2: {  	[hbm4b:s18+s2] =	stream.strided.scatter [tilespmem:s28], [sflag:$0x2], $0x8000, s17, s2, $0x38;
	[tilespmem:$0xF000] =	vst v63  }
0xd3: {  	_ =	swait.ge [sflag:s21], $0x8000  }
0xd4: {  	[sflag:s21] =	ssyncset.done $0x0  }
0xd5: {  	[sflag:s21] =	ssyncadd.s32 $0xFFFF8000  }
0xd6: {  	[tilespmem:s7], [sflag:$0x2] =	stream.linear.gather [hbm4b:s4+s7], $0x1000, $0x38;
	[tilespmem:$0xF000] =	vst v63  }
0xd7: {  	_ =	swait.ge [sflag:s21], $0x1000  }
0xd8: {  	[sflag:s21] =	ssyncset.done $0x0  }
0xd9: {  	s28 =	simm.s32 $0x3000;
	s11 =	rddreg [dreg:$0x11];
	[sflag:s21] =	ssyncadd.s32 $0xFFFFF000  }
0xda: {  	[tilespmem:s28], [sflag:$0x1] =	stream.indirect.gather [hbm4b:s11+s22], $0x10, s7, s22, $0xb8;
	[tilespmem:$0xF000] =	vst v63  }
0xdb: {  	s10 =	simm.s32 $0x3800  }
0xdc: {  	[tilespmem:s10], [sflag:$0x1] =	stream.indirect.gather [hbm4b:s11+s22], $0x10, s22, s22, $0xb8;
	[tilespmem:$0xF000] =	vst v63  }
0xdd: {  	s4 =	simm.s32 $0x4000  }
0xde: {  	[tilespmem:s4], [sflag:$0x1] =	stream.indirect.gather [hbm4b:s11+s22], $0x10, s8, s22, $0xb8;
	[tilespmem:$0xF000] =	vst v63  }
0xdf: {  	s8 =	simm.s32 $0x4800  }
0xe0: {  	[tilespmem:s8], [sflag:$0x1] =	stream.indirect.gather [hbm4b:s11+s22], $0x10, s19, s22, $0xb8;
	[tilespmem:$0xF000] =	vst v63  }
0xe1: {  	s1 =	simm.s32 $0x5000  }
0xe2: {  	[tilespmem:s1], [sflag:$0x1] =	stream.indirect.gather [hbm4b:s11+s22], $0x10, s25, s22, $0xb8;
	[tilespmem:$0xF000] =	vst v63  }
0xe3: {  	s19 =	simm.s32 $0x280;
	s25 =	simm.s32 $0x5800  }
0xe4: {  	[tilespmem:s25], [sflag:$0x1] =	stream.indirect.gather [hbm4b:s11+s22], $0x10, s19, s22, $0xb8;
	[tilespmem:$0xF000] =	vst v63  }
0xe5: {  	s30 =	simm.s32 $0x6000;
	s24 =	simm.s32 $0x300  }
0xe6: {  	[tilespmem:s30], [sflag:$0x1] =	stream.indirect.gather [hbm4b:s11+s22], $0x10, s24, s22, $0xb8;
	[tilespmem:$0xF000] =	vst v63  }
0xe7: {  	s0 =	simm.s32 $0x6800;
	s7 =	simm.s32 $0x380  }
0xe8: {  	[tilespmem:s0], [sflag:$0x1] =	stream.indirect.gather [hbm4b:s11+s22], $0x10, s7, s22, $0xb8;
	[tilespmem:$0xF000] =	vst v63  }
0xe9: {  	_ =	swait.ge [sflag:s15], $0x800  }
0xea: {  	[sflag:s15] =	ssyncset.done $0x0  }
0xeb: {  	[sflag:s15] =	ssyncadd.s32 $0xFFFFF800  }
0xec: {  	_ =	swait.ge [sflag:s15], $0x800  }
0xed: {  	[sflag:s15] =	ssyncset.done $0x0  }
0xee: {  	[sflag:s15] =	ssyncadd.s32 $0xFFFFF800  }
0xef: {  	_ =	swait.ge [sflag:s15], $0x800  }
0xf0: {  	[sflag:s15] =	ssyncset.done $0x0  }
0xf1: {  	[sflag:s15] =	ssyncadd.s32 $0xFFFFF800  }
0xf2: {  	_ =	swait.ge [sflag:s15], $0x800  }
0xf3: {  	[sflag:s15] =	ssyncset.done $0x0  }
0xf4: {  	[sflag:s15] =	ssyncadd.s32 $0xFFFFF800  }
0xf5: {  	_ =	swait.ge [sflag:s15], $0x800  }
0xf6: {  	[sflag:s15] =	ssyncset.done $0x0  }
0xf7: {  	[sflag:s15] =	ssyncadd.s32 $0xFFFFF800  }
0xf8: {  	_ =	swait.ge [sflag:s15], $0x800  }
0xf9: {  	[sflag:s15] =	ssyncset.done $0x0  }
0xfa: {  	[sflag:s15] =	ssyncadd.s32 $0xFFFFF800  }
0xfb: {  	_ =	swait.ge [sflag:s15], $0x800  }
0xfc: {  	[sflag:s15] =	ssyncset.done $0x0  }
0xfd: {  	[sflag:s15] =	ssyncadd.s32 $0xFFFFF800  }
0xfe: {  	_ =	swait.ge [sflag:s15], $0x800  }
0xff: {  	[sflag:s15] =	ssyncset.done $0x0  }
0x100: {  	s13 =	simm.s32 $0x10;
	s9 =	rddreg [dreg:$0x9];
	[sflag:s15] =	ssyncadd.s32 $0xFFFFF800  }
0x101: {  	[hbm4b:s9+s13] =	stream.strided.scatter [tilespmem:s28], [sflag:$0x2], $0x4000, s17, s13, $0x38;
	[tilespmem:$0xF000] =	vst v63  }
0x102: {  	_ =	swait.ge [sflag:s21], $0x4000  }
0x103: {  	[sflag:s21] =	ssyncset.done $0x0  }
0x104: {  	s18 =	simm.s32 $0x400;
	[sflag:s21] =	ssyncadd.s32 $0xFFFFC000  }
0x105: {  	[tilespmem:s28], [sflag:$0x1] =	stream.indirect.gather [hbm4b:s11+s22], $0x10, s18, s22, $0xb8;
	[tilespmem:$0xF000] =	vst v63  }
0x106: {  	s19 =	simm.s32 $0x480  }
0x107: {  	[tilespmem:s10], [sflag:$0x1] =	stream.indirect.gather [hbm4b:s11+s22], $0x10, s19, s22, $0xb8;
	[tilespmem:$0xF000] =	vst v63  }
0x108: {  	s24 =	simm.s32 $0x500  }
0x109: {  	[tilespmem:s4], [sflag:$0x1] =	stream.indirect.gather [hbm4b:s11+s22], $0x10, s24, s22, $0xb8;
	[tilespmem:$0xF000] =	vst v63  }
0x10a: {  	s9 =	simm.s32 $0x580  }
0x10b: {  	[tilespmem:s8], [sflag:$0x1] =	stream.indirect.gather [hbm4b:s11+s22], $0x10, s9, s22, $0xb8;
	[tilespmem:$0xF000] =	vst v63  }
0x10c: {  	_ = 	snop  }
0x10d: {  	[tilespmem:s1], [sflag:$0x1] =	stream.indirect.gather [hbm4b:s11+s22], $0x10, s17, s22, $0xb8;
	[tilespmem:$0xF000] =	vst v63  }
0x10e: {  	s13 =	simm.s32 $0x680  }
0x10f: {  	[tilespmem:s25], [sflag:$0x1] =	stream.indirect.gather [hbm4b:s11+s22], $0x10, s13, s22, $0xb8;
	[tilespmem:$0xF000] =	vst v63  }
0x110: {  	s18 =	simm.s32 $0x700  }
0x111: {  	[tilespmem:s30], [sflag:$0x1] =	stream.indirect.gather [hbm4b:s11+s22], $0x10, s18, s22, $0xb8;
	[tilespmem:$0xF000] =	vst v63  }
0x112: {  	s7 =	simm.s32 $0x6800;
	s19 =	simm.s32 $0x780  }
0x113: {  	[tilespmem:s7], [sflag:$0x1] =	stream.indirect.gather [hbm4b:s11+s22], $0x10, s19, s22, $0xb8;
	[tilespmem:$0xF000] =	vst v63  }
0x114: {  	_ =	swait.ge [sflag:s15], $0x800  }
0x115: {  	[sflag:s15] =	ssyncset.done $0x0  }
0x116: {  	[sflag:s15] =	ssyncadd.s32 $0xFFFFF800  }
0x117: {  	_ =	swait.ge [sflag:s15], $0x800  }
0x118: {  	[sflag:s15] =	ssyncset.done $0x0  }
0x119: {  	[sflag:s15] =	ssyncadd.s32 $0xFFFFF800  }
0x11a: {  	_ =	swait.ge [sflag:s15], $0x800  }
0x11b: {  	[sflag:s15] =	ssyncset.done $0x0  }
0x11c: {  	[sflag:s15] =	ssyncadd.s32 $0xFFFFF800  }
0x11d: {  	_ =	swait.ge [sflag:s15], $0x800  }
0x11e: {  	[sflag:s15] =	ssyncset.done $0x0  }
0x11f: {  	[sflag:s15] =	ssyncadd.s32 $0xFFFFF800  }
0x120: {  	_ =	swait.ge [sflag:s15], $0x800  }
0x121: {  	[sflag:s15] =	ssyncset.done $0x0  }
0x122: {  	[sflag:s15] =	ssyncadd.s32 $0xFFFFF800  }
0x123: {  	_ =	swait.ge [sflag:s15], $0x800  }
0x124: {  	[sflag:s15] =	ssyncset.done $0x0  }
0x125: {  	[sflag:s15] =	ssyncadd.s32 $0xFFFFF800  }
0x126: {  	_ =	swait.ge [sflag:s15], $0x800  }
0x127: {  	[sflag:s15] =	ssyncset.done $0x0  }
0x128: {  	[sflag:s15] =	ssyncadd.s32 $0xFFFFF800  }
0x129: {  	_ =	swait.ge [sflag:s15], $0x800  }
0x12a: {  	[sflag:s15] =	ssyncset.done $0x0  }
0x12b: {  	s2 =	simm.s32 $0x10;
	s24 =	rddreg [dreg:$0xa];
	[sflag:s15] =	ssyncadd.s32 $0xFFFFF800  }
0x12c: {  	[hbm4b:s24+s2] =	stream.strided.scatter [tilespmem:s28], [sflag:$0x2], $0x4000, s17, s2, $0x38;
	[tilespmem:$0xF000] =	vst v63  }
0x12d: {  	_ =	swait.ge [sflag:s21], $0x4000  }
0x12e: {  	[sflag:s21] =	ssyncset.done $0x0  }
0x12f: {  	s2 =	simm.s32 $0x800;
	[sflag:s21] =	ssyncadd.s32 $0xFFFFC000  }
0x130: {  	[tilespmem:s28], [sflag:$0x1] =	stream.indirect.gather [hbm4b:s11+s22], $0x10, s2, s22, $0xb8;
	[tilespmem:$0xF000] =	vst v63  }
0x131: {  	s7 =	simm.s32 $0x880  }
0x132: {  	[tilespmem:s10], [sflag:$0x1] =	stream.indirect.gather [hbm4b:s11+s22], $0x10, s7, s22, $0xb8;
	[tilespmem:$0xF000] =	vst v63  }
0x133: {  	s13 =	simm.s32 $0x900  }
0x134: {  	[tilespmem:s4], [sflag:$0x1] =	stream.indirect.gather [hbm4b:s11+s22], $0x10, s13, s22, $0xb8;
	[tilespmem:$0xF000] =	vst v63  }
0x135: {  	s19 =	simm.s32 $0x980  }
0x136: {  	[tilespmem:s8], [sflag:$0x1] =	stream.indirect.gather [hbm4b:s11+s22], $0x10, s19, s22, $0xb8;
	[tilespmem:$0xF000] =	vst v63  }
0x137: {  	s24 =	simm.s32 $0xA00  }
0x138: {  	[tilespmem:s1], [sflag:$0x1] =	stream.indirect.gather [hbm4b:s11+s22], $0x10, s24, s22, $0xb8;
	[tilespmem:$0xF000] =	vst v63  }
0x139: {  	s2 =	simm.s32 $0xA80  }
0x13a: {  	[tilespmem:s25], [sflag:$0x1] =	stream.indirect.gather [hbm4b:s11+s22], $0x10, s2, s22, $0xb8;
	[tilespmem:$0xF000] =	vst v63  }
0x13b: {  	s13 =	simm.s32 $0xB00  }
0x13c: {  	[tilespmem:s30], [sflag:$0x1] =	stream.indirect.gather [hbm4b:s11+s22], $0x10, s13, s22, $0xb8;
	[tilespmem:$0xF000] =	vst v63  }
0x13d: {  	s9 =	simm.s32 $0x6800;
	s24 =	simm.s32 $0xB80  }
0x13e: {  	[tilespmem:s9], [sflag:$0x1] =	stream.indirect.gather [hbm4b:s11+s22], $0x10, s24, s22, $0xb8;
	[tilespmem:$0xF000] =	vst v63  }
0x13f: {  	_ =	swait.ge [sflag:s15], $0x800  }
0x140: {  	[sflag:s15] =	ssyncset.done $0x0  }
0x141: {  	[sflag:s15] =	ssyncadd.s32 $0xFFFFF800  }
0x142: {  	_ =	swait.ge [sflag:s15], $0x800  }
0x143: {  	[sflag:s15] =	ssyncset.done $0x0  }
0x144: {  	[sflag:s15] =	ssyncadd.s32 $0xFFFFF800  }
0x145: {  	_ =	swait.ge [sflag:s15], $0x800  }
0x146: {  	[sflag:s15] =	ssyncset.done $0x0  }
0x147: {  	[sflag:s15] =	ssyncadd.s32 $0xFFFFF800  }
0x148: {  	_ =	swait.ge [sflag:s15], $0x800  }
0x149: {  	[sflag:s15] =	ssyncset.done $0x0  }
0x14a: {  	[sflag:s15] =	ssyncadd.s32 $0xFFFFF800  }
0x14b: {  	_ =	swait.ge [sflag:s15], $0x800  }
0x14c: {  	[sflag:s15] =	ssyncset.done $0x0  }
0x14d: {  	[sflag:s15] =	ssyncadd.s32 $0xFFFFF800  }
0x14e: {  	_ =	swait.ge [sflag:s15], $0x800  }
0x14f: {  	[sflag:s15] =	ssyncset.done $0x0  }
0x150: {  	[sflag:s15] =	ssyncadd.s32 $0xFFFFF800  }
0x151: {  	_ =	swait.ge [sflag:s15], $0x800  }
0x152: {  	[sflag:s15] =	ssyncset.done $0x0  }
0x153: {  	[sflag:s15] =	ssyncadd.s32 $0xFFFFF800  }
0x154: {  	_ =	swait.ge [sflag:s15], $0x800  }
0x155: {  	[sflag:s15] =	ssyncset.done $0x0  }
0x156: {  	s18 =	simm.s32 $0x10;
	s24 =	rddreg [dreg:$0xb];
	[sflag:s15] =	ssyncadd.s32 $0xFFFFF800  }
0x157: {  	[hbm4b:s24+s18] =	stream.strided.scatter [tilespmem:s28], [sflag:$0x2], $0x4000, s17, s18, $0x38;
	[tilespmem:$0xF000] =	vst v63  }
0x158: {  	_ =	swait.ge [sflag:s21], $0x4000  }
0x159: {  	[sflag:s21] =	ssyncset.done $0x0  }
0x15a: {  	s9 =	simm.s32 $0xC00;
	[sflag:s21] =	ssyncadd.s32 $0xFFFFC000  }
0x15b: {  	[tilespmem:s28], [sflag:$0x1] =	stream.indirect.gather [hbm4b:s11+s22], $0x10, s9, s22, $0xb8;
	[tilespmem:$0xF000] =	vst v63  }
0x15c: {  	_ = 	snop  }
0x15d: {  	[tilespmem:s10], [sflag:$0x1] =	stream.indirect.gather [hbm4b:s11+s22], $0x10, s6, s22, $0xb8;
	[tilespmem:$0xF000] =	vst v63  }
0x15e: {  	s24 =	simm.s32 $0xD00  }
0x15f: {  	[tilespmem:s4], [sflag:$0x1] =	stream.indirect.gather [hbm4b:s11+s22], $0x10, s24, s22, $0xb8;
	[tilespmem:$0xF000] =	vst v63  }
0x160: {  	s4 =	simm.s32 $0xD80  }
0x161: {  	[tilespmem:s8], [sflag:$0x1] =	stream.indirect.gather [hbm4b:s11+s22], $0x10, s4, s22, $0xb8;
	[tilespmem:$0xF000] =	vst v63  }
0x162: {  	s8 =	simm.s32 $0xE00  }
0x163: {  	[tilespmem:s1], [sflag:$0x1] =	stream.indirect.gather [hbm4b:s11+s22], $0x10, s8, s22, $0xb8;
	[tilespmem:$0xF000] =	vst v63  }
0x164: {  	s1 =	simm.s32 $0xE80  }
0x165: {  	[tilespmem:s25], [sflag:$0x1] =	stream.indirect.gather [hbm4b:s11+s22], $0x10, s1, s22, $0xb8;
	[tilespmem:$0xF000] =	vst v63  }
0x166: {  	s4 =	simm.s32 $0xF00  }
0x167: {  	[tilespmem:s30], [sflag:$0x1] =	stream.indirect.gather [hbm4b:s11+s22], $0x10, s4, s22, $0xb8;
	[tilespmem:$0xF000] =	vst v63  }
0x168: {  	s25 =	simm.s32 $0xF80;
	s30 =	simm.s32 $0x6800  }
0x169: {  	[tilespmem:s30], [sflag:$0x1] =	stream.indirect.gather [hbm4b:s11+s22], $0x10, s25, s22, $0xb8;
	[tilespmem:$0xF000] =	vst v63  }
0x16a: {  	_ =	swait.ge [sflag:s15], $0x800  }
0x16b: {  	[sflag:s15] =	ssyncset.done $0x0  }
0x16c: {  	[sflag:s15] =	ssyncadd.s32 $0xFFFFF800  }
0x16d: {  	_ =	swait.ge [sflag:s15], $0x800  }
0x16e: {  	[sflag:s15] =	ssyncset.done $0x0  }
0x16f: {  	[sflag:s15] =	ssyncadd.s32 $0xFFFFF800  }
0x170: {  	_ =	swait.ge [sflag:s15], $0x800  }
0x171: {  	[sflag:s15] =	ssyncset.done $0x0  }
0x172: {  	[sflag:s15] =	ssyncadd.s32 $0xFFFFF800  }
0x173: {  	_ =	swait.ge [sflag:s15], $0x800  }
0x174: {  	[sflag:s15] =	ssyncset.done $0x0  }
0x175: {  	[sflag:s15] =	ssyncadd.s32 $0xFFFFF800  }
0x176: {  	_ =	swait.ge [sflag:s15], $0x800  }
0x177: {  	[sflag:s15] =	ssyncset.done $0x0  }
0x178: {  	[sflag:s15] =	ssyncadd.s32 $0xFFFFF800  }
0x179: {  	_ =	swait.ge [sflag:s15], $0x800  }
0x17a: {  	[sflag:s15] =	ssyncset.done $0x0  }
0x17b: {  	[sflag:s15] =	ssyncadd.s32 $0xFFFFF800  }
0x17c: {  	_ =	swait.ge [sflag:s15], $0x800  }
0x17d: {  	s7 =	simm.s32 $0xA80;
	[sflag:s15] =	ssyncset.done $0x0  }
0x17e: {  	s19 =	simm.s32 $0xA00;
	s2 =	simm.s32 $0xB00;
	[sflag:s15] =	ssyncadd.s32 $0xFFFFF800  }
0x17f: {  	s13 =	simm.s32 $0xB80;
	s18 =	simm.s32 $0xC00;
	_ =	swait.ge [sflag:s15], $0x800  }
0x180: {  	s9 =	simm.s32 $0xC80;
	s30 =	simm.s32 $0x10;
	[sflag:s15] =	ssyncset.done $0x0  }
.Ltmp3:
0x181: {  	s25 =	rddreg [dreg:$0xc];
	[sflag:s15] =	ssyncadd.s32 $0xFFFFF800;
	(pc) =	sbr.rel .LBB2_6-.Ltmp3, $4  }
0x182: {  	[hbm4b:s25+s30] =	stream.strided.scatter [tilespmem:s28], [sflag:$0x2], $0x4000, s17, s30, $0x38;
	[tilespmem:$0xF000] =	vst v63  }
0x183: {  	s6 =	simm.s32 $0xD00;
	s10 =	simm.s32 $0xD80;
	_ =	swait.ge [sflag:s21], $0x4000  }
0x184: {  	s24 =	simm.s32 $0xE00;
	s8 =	simm.s32 $0xE80;
	[sflag:s21] =	ssyncset.done $0x0  }
0x185: {  	s1 =	simm.s32 $0xF00;
	s4 =	simm.s32 $0xF80;
	[sflag:s21] =	ssyncadd.s32 $0xFFFFC000  }
.LBB2_5:
0x186: {  	s30 =	sadd.s32 $0x6, s30  }
0x187: {  	p1 =	sne.s32 s30, $0x1E  }
.Ltmp4:
0x188: {  	_ = 	snop;
	(pc) =	sbr.rel @!p1 .LBB2_6-.Ltmp4, $2  }
0x189: {  	_ =	sdelay $0x2  }
0x18a: {  	s28 =	sadd.s32 $0xC00, s28  }
.LBB2_3:
0x18b: {  	s0 =	rddreg [dreg:$0x12]  }
0x18c: {  	s0 =	sadd.s32 s30, s0  }
0x18d: {  	s0 =	sadd.s32 $0xFFFFFFE6, s0  }
0x18e: {  	p1 =	sgt.s32 s0, $0x19  }
.Ltmp5:
0x18f: {  	_ = 	snop;
	(pc) =	sbr.rel @p1 .LBB2_5-.Ltmp5, $1  }
0x190: {  	_ =	sdelay $0x3  }
0x191: {  	s11 =	sand.u32 $0x1FFFFE00, s28;
	s25 =	rddreg [dreg:$0xe]  }
0x192: {  	s11 =	sadd.s32 s25, s11;
	s25 =	simm.s32 $0x0  }
0x193: {  	[tilespmem:s25], [sflag:$0x2] =	stream.linear.gather [hbm4b:s11+s25], $0x1000, $0x38;
	[tilespmem:$0xF000] =	vst v63  }
0x194: {  	_ =	swait.ge [sflag:s21], $0x1000  }
0x195: {  	[sflag:s21] =	ssyncset.done $0x0  }
0x196: {  	[sflag:s21] =	ssyncadd.s32 $0xFFFFF000  }
0x197: {  	[tilespmem:s26], [sflag:$0x1] =	stream.indirect.gather [hbm4b:s5+s22], $0x8, s25, s22, $0xb8;
	[tilespmem:$0xF000] =	vst v63  }
0x198: {  	_ = 	snop  }
0x199: {  	[tilespmem:s29], [sflag:$0x1] =	stream.indirect.gather [hbm4b:s5+s22], $0x8, s22, s22, $0xb8;
	[tilespmem:$0xF000] =	vst v63  }
0x19a: {  	s25 =	simm.s32 $0x100  }
0x19b: {  	[tilespmem:s31], [sflag:$0x1] =	stream.indirect.gather [hbm4b:s5+s22], $0x8, s25, s22, $0xb8;
	[tilespmem:$0xF000] =	vst v63  }
0x19c: {  	s25 =	simm.s32 $0x180  }
0x19d: {  	[tilespmem:s3], [sflag:$0x1] =	stream.indirect.gather [hbm4b:s5+s22], $0x8, s25, s22, $0xb8;
	[tilespmem:$0xF000] =	vst v63  }
0x19e: {  	s25 =	simm.s32 $0x200  }
0x19f: {  	[tilespmem:s20], [sflag:$0x1] =	stream.indirect.gather [hbm4b:s5+s22], $0x8, s25, s22, $0xb8;
	[tilespmem:$0xF000] =	vst v63  }
0x1a0: {  	s25 =	simm.s32 $0x280  }
0x1a1: {  	[tilespmem:s12], [sflag:$0x1] =	stream.indirect.gather [hbm4b:s5+s22], $0x8, s25, s22, $0xb8;
	[tilespmem:$0xF000] =	vst v63  }
0x1a2: {  	s25 =	simm.s32 $0x300  }
0x1a3: {  	[tilespmem:s14], [sflag:$0x1] =	stream.indirect.gather [hbm4b:s5+s22], $0x8, s25, s22, $0xb8;
	[tilespmem:$0xF000] =	vst v63  }
0x1a4: {  	s25 =	simm.s32 $0x380  }
0x1a5: {  	[tilespmem:s16], [sflag:$0x1] =	stream.indirect.gather [hbm4b:s5+s22], $0x8, s25, s22, $0xb8;
	[tilespmem:$0xF000] =	vst v63  }
0x1a6: {  	_ =	swait.ge [sflag:s15], $0x400  }
0x1a7: {  	[sflag:s15] =	ssyncset.done $0x0  }
0x1a8: {  	[sflag:s15] =	ssyncadd.s32 $0xFFFFFC00  }
0x1a9: {  	_ =	swait.ge [sflag:s15], $0x400  }
0x1aa: {  	[sflag:s15] =	ssyncset.done $0x0  }
0x1ab: {  	[sflag:s15] =	ssyncadd.s32 $0xFFFFFC00  }
0x1ac: {  	_ =	swait.ge [sflag:s15], $0x400  }
0x1ad: {  	[sflag:s15] =	ssyncset.done $0x0  }
0x1ae: {  	[sflag:s15] =	ssyncadd.s32 $0xFFFFFC00  }
0x1af: {  	_ =	swait.ge [sflag:s15], $0x400  }
0x1b0: {  	[sflag:s15] =	ssyncset.done $0x0  }
0x1b1: {  	[sflag:s15] =	ssyncadd.s32 $0xFFFFFC00  }
0x1b2: {  	_ =	swait.ge [sflag:s15], $0x400  }
0x1b3: {  	[sflag:s15] =	ssyncset.done $0x0  }
0x1b4: {  	[sflag:s15] =	ssyncadd.s32 $0xFFFFFC00  }
0x1b5: {  	_ =	swait.ge [sflag:s15], $0x400  }
0x1b6: {  	[sflag:s15] =	ssyncset.done $0x0  }
0x1b7: {  	[sflag:s15] =	ssyncadd.s32 $0xFFFFFC00  }
0x1b8: {  	_ =	swait.ge [sflag:s15], $0x400  }
0x1b9: {  	[sflag:s15] =	ssyncset.done $0x0  }
0x1ba: {  	[sflag:s15] =	ssyncadd.s32 $0xFFFFFC00  }
0x1bb: {  	_ =	swait.ge [sflag:s15], $0x400  }
0x1bc: {  	s0 =	sand.u32 $0x1FFFFFFF, s0;
	[sflag:s15] =	ssyncset.done $0x0;
	s25 =	rddreg [dreg:$0x10]  }
0x1bd: {  	[sflag:s15] =	ssyncadd.s32 $0xFFFFFC00;
	s0 =	sadd.s32 s25, s0  }
0x1be: {  	[hbm4b:s0+s23] =	stream.strided.scatter [tilespmem:s26], [sflag:$0x2], $0x2000, s17, s23, $0x38;
	[tilespmem:$0xF000] =	vst v63  }
0x1bf: {  	_ =	swait.ge [sflag:s21], $0x2000  }
0x1c0: {  	[sflag:s21] =	ssyncset.done $0x0  }
0x1c1: {  	s25 =	simm.s32 $0x400;
	[sflag:s21] =	ssyncadd.s32 $0xFFFFE000  }
0x1c2: {  	[tilespmem:s26], [sflag:$0x1] =	stream.indirect.gather [hbm4b:s5+s22], $0x8, s25, s22, $0xb8;
	[tilespmem:$0xF000] =	vst v63  }
0x1c3: {  	s11 =	simm.s32 $0x480  }
0x1c4: {  	[tilespmem:s29], [sflag:$0x1] =	stream.indirect.gather [hbm4b:s5+s22], $0x8, s11, s22, $0xb8;
	[tilespmem:$0xF000] =	vst v63  }
0x1c5: {  	s25 =	simm.s32 $0x500  }
0x1c6: {  	[tilespmem:s31], [sflag:$0x1] =	stream.indirect.gather [hbm4b:s5+s22], $0x8, s25, s22, $0xb8;
	[tilespmem:$0xF000] =	vst v63  }
0x1c7: {  	s11 =	simm.s32 $0x580  }
0x1c8: {  	[tilespmem:s3], [sflag:$0x1] =	stream.indirect.gather [hbm4b:s5+s22], $0x8, s11, s22, $0xb8;
	[tilespmem:$0xF000] =	vst v63  }
0x1c9: {  	_ = 	snop  }
0x1ca: {  	[tilespmem:s20], [sflag:$0x1] =	stream.indirect.gather [hbm4b:s5+s22], $0x8, s17, s22, $0xb8;
	[tilespmem:$0xF000] =	vst v63  }
0x1cb: {  	s25 =	simm.s32 $0x680  }
0x1cc: {  	[tilespmem:s12], [sflag:$0x1] =	stream.indirect.gather [hbm4b:s5+s22], $0x8, s25, s22, $0xb8;
	[tilespmem:$0xF000] =	vst v63  }
0x1cd: {  	s11 =	simm.s32 $0x700  }
0x1ce: {  	[tilespmem:s14], [sflag:$0x1] =	stream.indirect.gather [hbm4b:s5+s22], $0x8, s11, s22, $0xb8;
	[tilespmem:$0xF000] =	vst v63  }
0x1cf: {  	s25 =	simm.s32 $0x780  }
0x1d0: {  	[tilespmem:s16], [sflag:$0x1] =	stream.indirect.gather [hbm4b:s5+s22], $0x8, s25, s22, $0xb8;
	[tilespmem:$0xF000] =	vst v63  }
0x1d1: {  	_ =	swait.ge [sflag:s15], $0x400  }
0x1d2: {  	[sflag:s15] =	ssyncset.done $0x0  }
0x1d3: {  	[sflag:s15] =	ssyncadd.s32 $0xFFFFFC00  }
0x1d4: {  	_ =	swait.ge [sflag:s15], $0x400  }
0x1d5: {  	[sflag:s15] =	ssyncset.done $0x0  }
0x1d6: {  	[sflag:s15] =	ssyncadd.s32 $0xFFFFFC00  }
0x1d7: {  	_ =	swait.ge [sflag:s15], $0x400  }
0x1d8: {  	[sflag:s15] =	ssyncset.done $0x0  }
0x1d9: {  	[sflag:s15] =	ssyncadd.s32 $0xFFFFFC00  }
0x1da: {  	_ =	swait.ge [sflag:s15], $0x400  }
0x1db: {  	[sflag:s15] =	ssyncset.done $0x0  }
0x1dc: {  	[sflag:s15] =	ssyncadd.s32 $0xFFFFFC00  }
0x1dd: {  	_ =	swait.ge [sflag:s15], $0x400  }
0x1de: {  	[sflag:s15] =	ssyncset.done $0x0  }
0x1df: {  	[sflag:s15] =	ssyncadd.s32 $0xFFFFFC00  }
0x1e0: {  	_ =	swait.ge [sflag:s15], $0x400  }
0x1e1: {  	[sflag:s15] =	ssyncset.done $0x0  }
0x1e2: {  	[sflag:s15] =	ssyncadd.s32 $0xFFFFFC00  }
0x1e3: {  	_ =	swait.ge [sflag:s15], $0x400  }
0x1e4: {  	[sflag:s15] =	ssyncset.done $0x0  }
0x1e5: {  	[sflag:s15] =	ssyncadd.s32 $0xFFFFFC00  }
0x1e6: {  	_ =	swait.ge [sflag:s15], $0x400  }
0x1e7: {  	s11 =	rddreg [dreg:$0xf]  }
0x1e8: {  	[sflag:s15] =	ssyncset.done $0x0;
	s0 =	sadd.s32 s30, s11  }
0x1e9: {  	[sflag:s15] =	ssyncadd.s32 $0xFFFFFC00;
	s25 =	sadd.s32 $0x2FFE6, s0  }
0x1ea: {  	[hbm4b:s25+s23] =	stream.strided.scatter [tilespmem:s26], [sflag:$0x2], $0x2000, s17, s23, $0x38;
	[tilespmem:$0xF000] =	vst v63  }
0x1eb: {  	_ =	swait.ge [sflag:s21], $0x2000  }
0x1ec: {  	[sflag:s21] =	ssyncset.done $0x0  }
0x1ed: {  	s25 =	simm.s32 $0x800;
	[sflag:s21] =	ssyncadd.s32 $0xFFFFE000  }
0x1ee: {  	[tilespmem:s26], [sflag:$0x1] =	stream.indirect.gather [hbm4b:s5+s22], $0x8, s25, s22, $0xb8;
	[tilespmem:$0xF000] =	vst v63  }
0x1ef: {  	s25 =	simm.s32 $0x880  }
0x1f0: {  	[tilespmem:s29], [sflag:$0x1] =	stream.indirect.gather [hbm4b:s5+s22], $0x8, s25, s22, $0xb8;
	[tilespmem:$0xF000] =	vst v63  }
0x1f1: {  	s25 =	simm.s32 $0x900  }
0x1f2: {  	[tilespmem:s31], [sflag:$0x1] =	stream.indirect.gather [hbm4b:s5+s22], $0x8, s25, s22, $0xb8;
	[tilespmem:$0xF000] =	vst v63  }
0x1f3: {  	s25 =	simm.s32 $0x980  }
0x1f4: {  	[tilespmem:s3], [sflag:$0x1] =	stream.indirect.gather [hbm4b:s5+s22], $0x8, s25, s22, $0xb8;
	[tilespmem:$0xF000] =	vst v63  }
0x1f5: {  	_ = 	snop  }
0x1f6: {  	[tilespmem:s20], [sflag:$0x1] =	stream.indirect.gather [hbm4b:s5+s22], $0x8, s19, s22, $0xb8;
	[tilespmem:$0xF000] =	vst v63  }
0x1f7: {  	_ = 	snop  }
0x1f8: {  	[tilespmem:s12], [sflag:$0x1] =	stream.indirect.gather [hbm4b:s5+s22], $0x8, s7, s22, $0xb8;
	[tilespmem:$0xF000] =	vst v63  }
0x1f9: {  	_ = 	snop  }
0x1fa: {  	[tilespmem:s14], [sflag:$0x1] =	stream.indirect.gather [hbm4b:s5+s22], $0x8, s2, s22, $0xb8;
	[tilespmem:$0xF000] =	vst v63  }
0x1fb: {  	_ = 	snop  }
0x1fc: {  	[tilespmem:s16], [sflag:$0x1] =	stream.indirect.gather [hbm4b:s5+s22], $0x8, s13, s22, $0xb8;
	[tilespmem:$0xF000] =	vst v63  }
0x1fd: {  	_ =	swait.ge [sflag:s15], $0x400  }
0x1fe: {  	[sflag:s15] =	ssyncset.done $0x0  }
0x1ff: {  	[sflag:s15] =	ssyncadd.s32 $0xFFFFFC00  }
0x200: {  	_ =	swait.ge [sflag:s15], $0x400  }
0x201: {  	[sflag:s15] =	ssyncset.done $0x0  }
0x202: {  	[sflag:s15] =	ssyncadd.s32 $0xFFFFFC00  }
0x203: {  	_ =	swait.ge [sflag:s15], $0x400  }
0x204: {  	[sflag:s15] =	ssyncset.done $0x0  }
0x205: {  	[sflag:s15] =	ssyncadd.s32 $0xFFFFFC00  }
0x206: {  	_ =	swait.ge [sflag:s15], $0x400  }
0x207: {  	[sflag:s15] =	ssyncset.done $0x0  }
0x208: {  	[sflag:s15] =	ssyncadd.s32 $0xFFFFFC00  }
0x209: {  	_ =	swait.ge [sflag:s15], $0x400  }
0x20a: {  	[sflag:s15] =	ssyncset.done $0x0  }
0x20b: {  	[sflag:s15] =	ssyncadd.s32 $0xFFFFFC00  }
0x20c: {  	_ =	swait.ge [sflag:s15], $0x400  }
0x20d: {  	[sflag:s15] =	ssyncset.done $0x0  }
0x20e: {  	[sflag:s15] =	ssyncadd.s32 $0xFFFFFC00  }
0x20f: {  	_ =	swait.ge [sflag:s15], $0x400  }
0x210: {  	[sflag:s15] =	ssyncset.done $0x0  }
0x211: {  	[sflag:s15] =	ssyncadd.s32 $0xFFFFFC00  }
0x212: {  	_ =	swait.ge [sflag:s15], $0x400  }
0x213: {  	[sflag:s15] =	ssyncset.done $0x0  }
0x214: {  	s25 =	sadd.s32 $0x5FFE6, s0;
	[sflag:s15] =	ssyncadd.s32 $0xFFFFFC00  }
0x215: {  	[hbm4b:s25+s23] =	stream.strided.scatter [tilespmem:s26], [sflag:$0x2], $0x2000, s17, s23, $0x38;
	[tilespmem:$0xF000] =	vst v63  }
0x216: {  	_ =	swait.ge [sflag:s21], $0x2000  }
0x217: {  	[sflag:s21] =	ssyncset.done $0x0  }
0x218: {  	[sflag:s21] =	ssyncadd.s32 $0xFFFFE000  }
0x219: {  	[tilespmem:s26], [sflag:$0x1] =	stream.indirect.gather [hbm4b:s5+s22], $0x8, s18, s22, $0xb8;
	[tilespmem:$0xF000] =	vst v63  }
0x21a: {  	_ = 	snop  }
0x21b: {  	[tilespmem:s29], [sflag:$0x1] =	stream.indirect.gather [hbm4b:s5+s22], $0x8, s9, s22, $0xb8;
	[tilespmem:$0xF000] =	vst v63  }
0x21c: {  	_ = 	snop  }
0x21d: {  	[tilespmem:s31], [sflag:$0x1] =	stream.indirect.gather [hbm4b:s5+s22], $0x8, s6, s22, $0xb8;
	[tilespmem:$0xF000] =	vst v63  }
0x21e: {  	_ = 	snop  }
0x21f: {  	[tilespmem:s3], [sflag:$0x1] =	stream.indirect.gather [hbm4b:s5+s22], $0x8, s10, s22, $0xb8;
	[tilespmem:$0xF000] =	vst v63  }
0x220: {  	_ = 	snop  }
0x221: {  	[tilespmem:s20], [sflag:$0x1] =	stream.indirect.gather [hbm4b:s5+s22], $0x8, s24, s22, $0xb8;
	[tilespmem:$0xF000] =	vst v63  }
0x222: {  	_ = 	snop  }
0x223: {  	[tilespmem:s12], [sflag:$0x1] =	stream.indirect.gather [hbm4b:s5+s22], $0x8, s8, s22, $0xb8;
	[tilespmem:$0xF000] =	vst v63  }
0x224: {  	_ = 	snop  }
0x225: {  	[tilespmem:s14], [sflag:$0x1] =	stream.indirect.gather [hbm4b:s5+s22], $0x8, s1, s22, $0xb8;
	[tilespmem:$0xF000] =	vst v63  }
0x226: {  	_ = 	snop  }
0x227: {  	[tilespmem:s16], [sflag:$0x1] =	stream.indirect.gather [hbm4b:s5+s22], $0x8, s4, s22, $0xb8;
	[tilespmem:$0xF000] =	vst v63  }
0x228: {  	_ =	swait.ge [sflag:s15], $0x400  }
0x229: {  	[sflag:s15] =	ssyncset.done $0x0  }
0x22a: {  	[sflag:s15] =	ssyncadd.s32 $0xFFFFFC00  }
0x22b: {  	_ =	swait.ge [sflag:s15], $0x400  }
0x22c: {  	[sflag:s15] =	ssyncset.done $0x0  }
0x22d: {  	[sflag:s15] =	ssyncadd.s32 $0xFFFFFC00  }
0x22e: {  	_ =	swait.ge [sflag:s15], $0x400  }
0x22f: {  	[sflag:s15] =	ssyncset.done $0x0  }
0x230: {  	[sflag:s15] =	ssyncadd.s32 $0xFFFFFC00  }
0x231: {  	_ =	swait.ge [sflag:s15], $0x400  }
0x232: {  	[sflag:s15] =	ssyncset.done $0x0  }
0x233: {  	[sflag:s15] =	ssyncadd.s32 $0xFFFFFC00  }
0x234: {  	_ =	swait.ge [sflag:s15], $0x400  }
0x235: {  	[sflag:s15] =	ssyncset.done $0x0  }
0x236: {  	[sflag:s15] =	ssyncadd.s32 $0xFFFFFC00  }
0x237: {  	_ =	swait.ge [sflag:s15], $0x400  }
0x238: {  	[sflag:s15] =	ssyncset.done $0x0  }
0x239: {  	[sflag:s15] =	ssyncadd.s32 $0xFFFFFC00  }
0x23a: {  	_ =	swait.ge [sflag:s15], $0x400  }
0x23b: {  	[sflag:s15] =	ssyncset.done $0x0  }
0x23c: {  	[sflag:s15] =	ssyncadd.s32 $0xFFFFFC00  }
0x23d: {  	_ =	swait.ge [sflag:s15], $0x400  }
0x23e: {  	[sflag:s15] =	ssyncset.done $0x0  }
.Ltmp6:
0x23f: {  	s0 =	sadd.s32 $0x8FFE6, s0;
	[sflag:s15] =	ssyncadd.s32 $0xFFFFFC00;
	(pc) =	sbr.rel .LBB2_5-.Ltmp6, $4  }
0x240: {  	[hbm4b:s0+s23] =	stream.strided.scatter [tilespmem:s26], [sflag:$0x2], $0x2000, s17, s23, $0x38;
	[tilespmem:$0xF000] =	vst v63  }
0x241: {  	_ =	swait.ge [sflag:s21], $0x2000  }
0x242: {  	[sflag:s21] =	ssyncset.done $0x0  }
0x243: {  	[sflag:s21] =	ssyncadd.s32 $0xFFFFE000  }
.LBB2_7:
0x244: {  	_ =	sfence.sel $0x180000  }
0x245: {  	[bflag:$0x0] =	sbarrier.arrive $0xFFFF  }
0x246: {  	_ =	strace $0x90000047  }
0x247: {  	s0 =	stileid.u32;
	[bflag:$0x2] =	sbarrier.arrive $0xFFFF  }
0x248: {  	p0 =	sne.s32 s0, $0x0;
	s0 =	rddreg [dreg:$0x2]  }
0x249: {  	s0 =	sadd.s32 @!p0 $0x100000, s0  }
0x24a: {  	[sflag:s0] =	ssyncadd.tile.s32 @!p0 $0x1;
	_ =	shalt  }
.Lfunc_end2:
_tile_overlayer_lowered:
.L_overlay_start_2:
0x24b: {  	(tag) =	ssettag $0x2  }
0x24c: {  	s0 =	rddreg [dreg:$0x0];
	s2 =	stileid.u32  }
0x24d: {  	s1 =	rddreg [dreg:$0x1];
	p0 =	sne.s32 s2, $0x0  }
0x24e: {  	s3 =	rddreg [dreg:$0x2];
	[bflag:$0x3] =	sbarrier.arrive $0xFFFF;
	s2 =	simm.s32 @!p0 $0x1C02  }
0x24f: {  	[timem:s3], [sflag:s2] =	dma.local @!p0 [hbm:s0], s1  }
0x250: {  	s0 =	simm.s32 @!p0 $0x2  }
0x251: {  	_ =	swait.ge @!p0 [sflag:s0], s1  }
0x252: {  	s1 =	ssub.s32 @!p0 $0x0, s1;
	[sflag:s0] =	ssyncset.done @!p0 $0x0  }
0x253: {  	[sflag:s0] =	ssyncadd.s32 @!p0 s1  }
0x254: {  	[bflag:$0x3] =	sbarrier.arrive $0xFFFF  }
0x255: {  	_ =	shalt  }

</sc_bundles>
